<compile_context>
chip_gen: v7x
topology: tpu7x:2x2x1
jax: 0.10.2.dev20260603
libtpu: 0.0.44.dev20260713+nightly
codegen_flags: <defaults>
</compile_context>

<pallas_src>
import functools

import jax
import jax.numpy as jnp
from jax import lax
from jax.experimental import pallas as pl
from jax.experimental.pallas import tpu as pltpu
from jax.experimental.pallas import tpu_sc as plsc

N_NODES = 10000
D = 128
NPAD = 10240
NC, NS = 2, 16
NW = NC * NS
CHUNK = 128
RPT = NPAD // NS


def _deg_kernel(n_chunks):
    mesh = plsc.VectorSubcoreMesh(core_axis_name="c", subcore_axis_name="s")

    @functools.partial(
        pl.kernel, mesh=mesh,
        out_type=jax.ShapeDtypeStruct((NC * NPAD, 16), jnp.float32),
        scratch_types=[
            pltpu.VMEM_SHARED((NPAD, 16), jnp.float32),
            pltpu.VMEM((128, 16), jnp.float32),
            pltpu.VMEM((CHUNK,), jnp.int32),
            pltpu.VMEM((RPT, 16), jnp.float32),
        ],
    )
    def k(dst3, out, deg_sp, ones_v, idx_v, stage_v):
        c = lax.axis_index("c")
        s = lax.axis_index("s")
        wid = s * NC + c

        def fill(i, _):
            ones_v[i] = jnp.ones((16,), jnp.float32)
            return 0
        lax.fori_loop(0, 128, fill, 0)

        def zfill(i, _):
            stage_v[i] = jnp.zeros((16,), jnp.float32)
            return 0
        lax.fori_loop(0, RPT, zfill, 0)
        pltpu.sync_copy(stage_v, deg_sp.at[pl.ds(s * RPT, RPT)])
        plsc.subcore_barrier()

        def body(j, _):
            pltpu.sync_copy(dst3.at[wid, j], idx_v)
            pltpu.sync_copy(ones_v, deg_sp.at[idx_v], add=True)
            return 0
        lax.fori_loop(0, n_chunks, body, 0)
        plsc.subcore_barrier()

        pltpu.sync_copy(deg_sp.at[pl.ds(s * RPT, RPT)], stage_v)
        pltpu.sync_copy(stage_v, out.at[pl.ds(c * NPAD + s * RPT, RPT)])

    return k


def _scatter_kernel(n_chunks):
    mesh = plsc.VectorSubcoreMesh(core_axis_name="c", subcore_axis_name="s")

    @functools.partial(
        pl.kernel, mesh=mesh,
        out_type=jax.ShapeDtypeStruct((NC * NPAD, D), jnp.float32),
        scratch_types=[
            pltpu.VMEM_SHARED((NPAD, D), jnp.float32),
            pltpu.VMEM((CHUNK,), jnp.int32),
            pltpu.VMEM((CHUNK,), jnp.int32),
            pltpu.VMEM((CHUNK, D), jnp.float32),
        ],
    )
    def k(h, src3, dst3, out, acc_sp, sidx_v, didx_v, buf_v):
        c = lax.axis_index("c")
        s = lax.axis_index("s")
        wid = s * NC + c

        def init(t, _):
            base = s * RPT + t * CHUNK
            pltpu.sync_copy(h.at[pl.ds(base, CHUNK)], buf_v)
            pltpu.sync_copy(buf_v, acc_sp.at[pl.ds(base, CHUNK)])
            return 0
        lax.fori_loop(0, RPT // CHUNK, init, 0)
        plsc.subcore_barrier()

        def body(j, _):
            pltpu.sync_copy(src3.at[wid, j], sidx_v)
            pltpu.sync_copy(dst3.at[wid, j], didx_v)
            pltpu.sync_copy(h.at[sidx_v], buf_v)
            pltpu.sync_copy(buf_v, acc_sp.at[didx_v], add=True)
            return 0
        lax.fori_loop(0, n_chunks, body, 0)
        plsc.subcore_barrier()

        def wb(t, _):
            base = s * RPT + t * CHUNK
            pltpu.sync_copy(acc_sp.at[pl.ds(base, CHUNK)], buf_v)
            pltpu.sync_copy(buf_v, out.at[pl.ds(c * NPAD + base, CHUNK)])
            return 0
        lax.fori_loop(0, RPT // CHUNK, wb, 0)

    return k


def _matmul_body(x_ref, w_ref, da_ref, db_ref, o_ref):
    deg = da_ref[:, 0:1] + db_ref[:, 0:1] + 1.0
    dis = lax.rsqrt(deg)
    o_ref[:, :] = jnp.dot(x_ref[:, :], w_ref[:, :],
                          preferred_element_type=jnp.float32) * dis


def _finish_body(p_ref, h_ref, da_ref, db_ref, b_ref, g_ref, be_ref, o_ref):
    pre = (p_ref[0, 0:N_NODES, :] + p_ref[1, 0:N_NODES, :]
           - h_ref[0:N_NODES, :])
    deg = da_ref[0:N_NODES, 0:1] + db_ref[0:N_NODES, 0:1] + 1.0
    dis = lax.rsqrt(deg)
    pre = pre * dis + b_ref[:, :]
    mean = jnp.mean(pre, axis=0, keepdims=True)
    cen = pre - mean
    var = jnp.mean(cen * cen, axis=0, keepdims=True)
    y = cen * lax.rsqrt(var + 1e-5) * g_ref[:, :] + be_ref[:, :]
    o_ref[:, :] = jnp.maximum(y, 0.0)


def kernel(x, edge_index, W, b, gamma, beta):
    n_edges = edge_index.shape[1]
    n_chunks = -(-n_edges // (NW * CHUNK))
    epad = n_chunks * NW * CHUNK

    ei = edge_index.astype(jnp.int32)
    pad = jnp.full((epad - n_edges,), N_NODES, jnp.int32)
    src_flat = jnp.concatenate([ei[0], pad])
    dst_flat = jnp.concatenate([ei[1], pad])
    src3 = src_flat.reshape(NW, n_chunks, CHUNK)
    dst3 = dst_flat.reshape(NW, n_chunks, CHUNK)
    x_pad = jnp.pad(x, ((0, NPAD - x.shape[0]), (0, 0)))

    deg2 = _deg_kernel(n_chunks)(dst3)
    deg_a, deg_b = deg2[:NPAD], deg2[NPAD:]

    n_blk = 8
    rows = NPAD // n_blk
    h = pl.pallas_call(
        _matmul_body,
        grid=(n_blk,),
        in_specs=[
            pl.BlockSpec((rows, D), lambda i: (i, 0)),
            pl.BlockSpec((D, D), lambda i: (0, 0)),
            pl.BlockSpec((rows, 16), lambda i: (i, 0)),
            pl.BlockSpec((rows, 16), lambda i: (i, 0)),
        ],
        out_specs=pl.BlockSpec((rows, D), lambda i: (i, 0)),
        out_shape=jax.ShapeDtypeStruct((NPAD, D), jnp.float32),
    )(x_pad, W, deg_a, deg_b)

    p = _scatter_kernel(n_chunks)(h, src3, dst3).reshape(NC, NPAD, D)

    out = pl.pallas_call(
        _finish_body,
        out_shape=jax.ShapeDtypeStruct((N_NODES, D), jnp.float32),
    )(p, h, deg_a, deg_b, b.reshape(1, D), gamma.reshape(1, D),
      beta.reshape(1, D))
    return out

# --- scband reference (transcript-rebuilt; emitter-appended) ---
"""Pipeline reference for scband-gcnlayer-34961033790071 (READ-ONLY COPY).

The authoritative reference and input builder live on the scoring server;
editing this copy changes nothing except your own understanding.
"""

import jax, jax.numpy as jnp
import numpy as np

N_NODES = 10000
N_EDGES = 320000
D_IN = 128
D_OUT = 128


def setup_inputs(seed: int = 0) -> dict:
    key = jax.random.key(seed)
    k1, k2, k3, k4 = jax.random.split(key, 4)
    x = jax.random.normal(k1, (N_NODES, D_IN), dtype=jnp.float32)
    edge_index = jax.random.randint(k2, (2, N_EDGES), 0, N_NODES, dtype=jnp.int64)
    # GCNConv learned params (glorot-ish init) and bias
    W = jax.random.normal(k3, (D_IN, D_OUT), dtype=jnp.float32) * (1.0 / np.sqrt(D_IN))
    b = jnp.zeros((D_OUT,), dtype=jnp.float32)
    # BatchNorm1d affine params
    gamma = jnp.ones((D_OUT,), dtype=jnp.float32)
    beta = jnp.zeros((D_OUT,), dtype=jnp.float32)
    return {"x": x, "edge_index": edge_index, "W": W, "b": b, "gamma": gamma, "beta": beta}


def reference(x, edge_index, W, b, gamma, beta):
    N = x.shape[0]
    src = edge_index[0]
    dst = edge_index[1]
    # --- GCNConv: add self loops ---
    loop = jnp.arange(N, dtype=edge_index.dtype)
    src = jnp.concatenate([src, loop])
    dst = jnp.concatenate([dst, loop])
    ew = jnp.ones(src.shape[0], dtype=x.dtype)
    # symmetric normalization: deg computed on dst (col)
    deg = jnp.zeros((N,), dtype=x.dtype).at[dst].add(ew)
    deg_inv_sqrt = jnp.where(deg > 0, deg ** -0.5, 0.0)
    norm = deg_inv_sqrt[src] * deg_inv_sqrt[dst]
    # linear transform then propagate
    h = x @ W
    msgs = h[src] * norm[:, None]
    out = jnp.zeros((N, W.shape[1]), dtype=x.dtype).at[dst].add(msgs)
    out = out + b
    # --- BatchNorm1d (training mode: batch statistics, biased variance) ---
    mean = jnp.mean(out, axis=0)
    var = jnp.var(out, axis=0)
    xn = (out - mean) / jnp.sqrt(var + 1e-5)
    y = xn * gamma + beta
    # --- ReLU ---
    return jax.nn.relu(y)

if __name__ == "__main__":
    import jax
    _d = setup_inputs()
    print(jax.jit(kernel)(*tuple(_d.values())))

</pallas_src>

<mosaic_0001>
#map = affine_map<(d0, d1) -> (0, 0, 0)>
#map1 = affine_map<(d0, d1) -> (0, 0)>
module attributes {stable_mosaic.version = 14 : i64} {
  func.func @k(%arg0: i32, %arg1: i32, %arg2: memref<32x79x128xi32, #tpu.memory_space<hbm>>, %arg3: memref<20480x16xf32, #tpu.memory_space<hbm>>, %arg4: memref<10240x16xf32, #tpu.memory_space<vmem_shared>>, %arg5: memref<128x16xf32, #tpu.memory_space<vmem>>, %arg6: memref<128xi32, #tpu.memory_space<vmem>>, %arg7: memref<640x16xf32, #tpu.memory_space<vmem>>) attributes {dimension_semantics = [#tpu.dimension_semantics<core_parallel>, #tpu.dimension_semantics<subcore_parallel>], iteration_bounds = array<i64: 2, 16>, scalar_prefetch = 0 : i64, scratch_operands = 4 : i64, tpu.core_type = #tpu.core_type<sc_vector_subcore>, window_params = [{transform_indices = #map}, {transform_indices = #map1}]} {
    %mul3A = arith.constant 2 : i32
    %mul3A_0 = arith.muli %arg1, %mul3A : i32
    %add3A = arith.addi %mul3A_0, %arg0 : i32
    %scan3A = arith.constant 0 : i32
    %scan3A_1 = arith.constant 0 : i32
    %scan3A_2 = arith.constant 128 : i32
    %scan3A_3 = arith.addi %scan3A_1, %scan3A_2 : i32
    %scan3A_4 = arith.constant 1 : i32
    %scan3A_5 = scf.for %scan3A_31 = %scan3A_1 to %scan3A_3 step %scan3A_4 iter_args(%scan3A_32 = %scan3A) -> (i32)  : i32 {
      %broadcast_in_dim3A = arith.constant 1.000000e+00 : f32
      %broadcast_in_dim3A_33 = vector.broadcast %broadcast_in_dim3A : f32 to vector<16xf32>
      %swap3A = arith.index_cast %scan3A_31 : i32 to index
      %swap3A_34 = arith.constant 0 : index
      %swap3A_35 = tpu.vector_load %arg5[%swap3A, %swap3A_34] {strides = array<i32>} : memref<128x16xf32, #tpu.memory_space<vmem>>, vector<1x16xf32>,
      %swap3A_36 = vector.shape_cast %swap3A_35 : vector<1x16xf32> to vector<16xf32>
      %swap3A_37 = vector.shape_cast %broadcast_in_dim3A_33 : vector<16xf32> to vector<1x16xf32>
      tpu.vector_store %arg5[%swap3A, %swap3A_34], %swap3A_37 {strides = array<i32>} : memref<128x16xf32, #tpu.memory_space<vmem>>, vector<1x16xf32>,
      %scan3A_38 = arith.constant 0 : i32
      scf.yield %scan3A_38 : i32
    }
    %scan3A_6 = arith.constant 128 : i32
    %scan3A_7 = arith.constant 0 : i32
    %scan3A_8 = arith.constant 0 : i32
    %scan3A_9 = arith.constant 640 : i32
    %scan3A_10 = arith.addi %scan3A_8, %scan3A_9 : i32
    %scan3A_11 = arith.constant 1 : i32
    %scan3A_12 = scf.for %scan3A_31 = %scan3A_8 to %scan3A_10 step %scan3A_11 iter_args(%scan3A_32 = %scan3A_7) -> (i32)  : i32 {
      %broadcast_in_dim3A = arith.constant 0.000000e+00 : f32
      %broadcast_in_dim3A_33 = vector.broadcast %broadcast_in_dim3A : f32 to vector<16xf32>
      %swap3A = arith.index_cast %scan3A_31 : i32 to index
      %swap3A_34 = arith.constant 0 : index
      %swap3A_35 = tpu.vector_load %arg7[%swap3A, %swap3A_34] {strides = array<i32>} : memref<640x16xf32, #tpu.memory_space<vmem>>, vector<1x16xf32>,
      %swap3A_36 = vector.shape_cast %swap3A_35 : vector<1x16xf32> to vector<16xf32>
      %swap3A_37 = vector.shape_cast %broadcast_in_dim3A_33 : vector<16xf32> to vector<1x16xf32>
      tpu.vector_store %arg7[%swap3A, %swap3A_34], %swap3A_37 {strides = array<i32>} : memref<640x16xf32, #tpu.memory_space<vmem>>, vector<1x16xf32>,
      %scan3A_38 = arith.constant 0 : i32
      scf.yield %scan3A_38 : i32
    }
    %scan3A_13 = arith.constant 640 : i32
    %mul3A_14 = arith.constant 640 : i32
    %mul3A_15 = arith.muli %arg1, %mul3A_14 : i32
    "tpu.region"() ({
      %run_scoped3A = tpu.sem_alloc : memref<!tpu.dma_semaphore, #tpu.memory_space<semaphore_mem>>
      %dma_start3A = arith.constant 0 : i32
      %dma_start3A_31 = tpu.memref_slice %arg4[%mul3A_15, %dma_start3A] : memref<10240x16xf32, #tpu.memory_space<vmem_shared>> -> memref<640x16xf32, #tpu.memory_space<vmem_shared>>
      %dma_start3A_32 = arith.constant 0 : i32
      %dma_start3A_33 = tpu.memref_slice %arg4[%mul3A_15, %dma_start3A_32] : memref<10240x16xf32, #tpu.memory_space<vmem_shared>> -> memref<640x16xf32, #tpu.memory_space<vmem_shared>>
      tpu.enqueue_dma source(%arg7 : memref<640x16xf32, #tpu.memory_space<vmem>>) target(%dma_start3A_33 : memref<640x16xf32, #tpu.memory_space<vmem_shared>>) target_semaphore(%run_scoped3A : memref<!tpu.dma_semaphore, #tpu.memory_space<semaphore_mem>>)
      %dma_wait3A = arith.constant 0 : i32
      %dma_wait3A_34 = tpu.memref_slice %arg4[%mul3A_15, %dma_wait3A] : memref<10240x16xf32, #tpu.memory_space<vmem_shared>> -> memref<640x16xf32, #tpu.memory_space<vmem_shared>>
      %dma_wait3A_35 = arith.constant 0 : i32
      %dma_wait3A_36 = tpu.memref_slice %arg4[%mul3A_15, %dma_wait3A_35] : memref<10240x16xf32, #tpu.memory_space<vmem_shared>> -> memref<640x16xf32, #tpu.memory_space<vmem_shared>>
      tpu.wait_dma2 semaphore(%run_scoped3A : memref<!tpu.dma_semaphore, #tpu.memory_space<semaphore_mem>>) src(%arg7 : memref<640x16xf32, #tpu.memory_space<vmem>>) dst(%dma_wait3A_36 : memref<640x16xf32, #tpu.memory_space<vmem_shared>>)
      tpu.yield
    }) : () -> ()
    %barrier3A = arith.constant 0 : index
    tpu.barrier barrier_id(%barrier3A)
    %scan3A_16 = arith.constant 0 : i32
    %scan3A_17 = arith.constant 0 : i32
    %scan3A_18 = arith.constant 79 : i32
    %scan3A_19 = arith.addi %scan3A_17, %scan3A_18 : i32
    %scan3A_20 = arith.constant 1 : i32
    %scan3A_21 = scf.for %scan3A_31 = %scan3A_17 to %scan3A_19 step %scan3A_20 iter_args(%scan3A_32 = %scan3A_16) -> (i32)  : i32 {
      "tpu.region"() ({
        %run_scoped3A = tpu.sem_alloc : memref<!tpu.dma_semaphore, #tpu.memory_space<semaphore_mem>>
        %dma_start3A = arith.constant 0 : i32
        %dma_start3A_34 = tpu.memref_slice %arg2[%add3A, %scan3A_31, %dma_start3A] : memref<32x79x128xi32, #tpu.memory_space<hbm>> -> memref<1x1x128xi32, #tpu.memory_space<hbm>>
        %dma_start3A_35 = tpu.memref_squeeze %dma_start3A_34 : memref<1x1x128xi32, #tpu.memory_space<hbm>> -> memref<128xi32, #tpu.memory_space<hbm>>
        %dma_start3A_36 = arith.constant 0 : i32
        %dma_start3A_37 = tpu.memref_slice %arg2[%add3A, %scan3A_31, %dma_start3A_36] : memref<32x79x128xi32, #tpu.memory_space<hbm>> -> memref<1x1x128xi32, #tpu.memory_space<hbm>>
        %dma_start3A_38 = tpu.memref_squeeze %dma_start3A_37 : memref<1x1x128xi32, #tpu.memory_space<hbm>> -> memref<128xi32, #tpu.memory_space<hbm>>
        tpu.enqueue_dma source(%dma_start3A_38 : memref<128xi32, #tpu.memory_space<hbm>>) target(%arg6 : memref<128xi32, #tpu.memory_space<vmem>>) target_semaphore(%run_scoped3A : memref<!tpu.dma_semaphore, #tpu.memory_space<semaphore_mem>>)
        %dma_wait3A = arith.constant 0 : i32
        %dma_wait3A_39 = tpu.memref_slice %arg2[%add3A, %scan3A_31, %dma_wait3A] : memref<32x79x128xi32, #tpu.memory_space<hbm>> -> memref<1x1x128xi32, #tpu.memory_space<hbm>>
        %dma_wait3A_40 = tpu.memref_squeeze %dma_wait3A_39 : memref<1x1x128xi32, #tpu.memory_space<hbm>> -> memref<128xi32, #tpu.memory_space<hbm>>
        %dma_wait3A_41 = arith.constant 0 : i32
        %dma_wait3A_42 = tpu.memref_slice %arg2[%add3A, %scan3A_31, %dma_wait3A_41] : memref<32x79x128xi32, #tpu.memory_space<hbm>> -> memref<1x1x128xi32, #tpu.memory_space<hbm>>
        %dma_wait3A_43 = tpu.memref_squeeze %dma_wait3A_42 : memref<1x1x128xi32, #tpu.memory_space<hbm>> -> memref<128xi32, #tpu.memory_space<hbm>>
        tpu.wait_dma2 semaphore(%run_scoped3A : memref<!tpu.dma_semaphore, #tpu.memory_space<semaphore_mem>>) src(%dma_wait3A_43 : memref<128xi32, #tpu.memory_space<hbm>>) dst(%arg6 : memref<128xi32, #tpu.memory_space<vmem>>)
        tpu.yield
      }) : () -> ()
      "tpu.region"() ({
        %run_scoped3A = tpu.sem_alloc : memref<!tpu.dma_semaphore, #tpu.memory_space<semaphore_mem>>
        %dma_start3A = arith.constant 0 : i32
        %dma_start3A_34 = arith.constant 0 : i32
        %dma_start3A_35 = tpu.memref_slice %arg4[%dma_start3A, %dma_start3A_34] : memref<10240x16xf32, #tpu.memory_space<vmem_shared>> -> memref<10240x16xf32, #tpu.memory_space<vmem_shared>>
        tpu.enqueue_indirect_dma source(%arg5 : memref<128x16xf32, #tpu.memory_space<vmem>>) target(%dma_start3A_35 : memref<10240x16xf32, #tpu.memory_space<vmem_shared>>) offsets(%arg6 : memref<128xi32, #tpu.memory_space<vmem>>) semaphore(%run_scoped3A : memref<!tpu.dma_semaphore, #tpu.memory_space<semaphore_mem>>) {add = true}
        %dma_wait3A = arith.constant 0 : i32
        %dma_wait3A_36 = arith.constant 0 : i32
        %dma_wait3A_37 = tpu.memref_slice %arg4[%dma_wait3A, %dma_wait3A_36] : memref<10240x16xf32, #tpu.memory_space<vmem_shared>> -> memref<10240x16xf32, #tpu.memory_space<vmem_shared>>
        tpu.wait_indirect_dma semaphore(%run_scoped3A : memref<!tpu.dma_semaphore, #tpu.memory_space<semaphore_mem>>) src(%arg5 : memref<128x16xf32, #tpu.memory_space<vmem>>) dst(%dma_wait3A_37 : memref<10240x16xf32, #tpu.memory_space<vmem_shared>>)
        tpu.yield
      }) : () -> ()
      %scan3A_33 = arith.constant 0 : i32
      scf.yield %scan3A_33 : i32
    }
    %scan3A_22 = arith.constant 79 : i32
    %barrier3A_23 = arith.constant 0 : index
    tpu.barrier barrier_id(%barrier3A_23)
    %mul3A_24 = arith.constant 640 : i32
    %mul3A_25 = arith.muli %arg1, %mul3A_24 : i32
    "tpu.region"() ({
      %run_scoped3A = tpu.sem_alloc : memref<!tpu.dma_semaphore, #tpu.memory_space<semaphore_mem>>
      %dma_start3A = arith.constant 0 : i32
      %dma_start3A_31 = tpu.memref_slice %arg4[%mul3A_25, %dma_start3A] : memref<10240x16xf32, #tpu.memory_space<vmem_shared>> -> memref<640x16xf32, #tpu.memory_space<vmem_shared>>
      %dma_start3A_32 = arith.constant 0 : i32
      %dma_start3A_33 = tpu.memref_slice %arg4[%mul3A_25, %dma_start3A_32] : memref<10240x16xf32, #tpu.memory_space<vmem_shared>> -> memref<640x16xf32, #tpu.memory_space<vmem_shared>>
      tpu.enqueue_dma source(%dma_start3A_33 : memref<640x16xf32, #tpu.memory_space<vmem_shared>>) target(%arg7 : memref<640x16xf32, #tpu.memory_space<vmem>>) target_semaphore(%run_scoped3A : memref<!tpu.dma_semaphore, #tpu.memory_space<semaphore_mem>>)
      %dma_wait3A = arith.constant 0 : i32
      %dma_wait3A_34 = tpu.memref_slice %arg4[%mul3A_25, %dma_wait3A] : memref<10240x16xf32, #tpu.memory_space<vmem_shared>> -> memref<640x16xf32, #tpu.memory_space<vmem_shared>>
      %dma_wait3A_35 = arith.constant 0 : i32
      %dma_wait3A_36 = tpu.memref_slice %arg4[%mul3A_25, %dma_wait3A_35] : memref<10240x16xf32, #tpu.memory_space<vmem_shared>> -> memref<640x16xf32, #tpu.memory_space<vmem_shared>>
      tpu.wait_dma2 semaphore(%run_scoped3A : memref<!tpu.dma_semaphore, #tpu.memory_space<semaphore_mem>>) src(%dma_wait3A_36 : memref<640x16xf32, #tpu.memory_space<vmem_shared>>) dst(%arg7 : memref<640x16xf32, #tpu.memory_space<vmem>>)
      tpu.yield
    }) : () -> ()
    %mul3A_26 = arith.constant 10240 : i32
    %mul3A_27 = arith.muli %arg0, %mul3A_26 : i32
    %mul3A_28 = arith.constant 640 : i32
    %mul3A_29 = arith.muli %arg1, %mul3A_28 : i32
    %add3A_30 = arith.addi %mul3A_27, %mul3A_29 : i32
    "tpu.region"() ({
      %run_scoped3A = tpu.sem_alloc : memref<!tpu.dma_semaphore, #tpu.memory_space<semaphore_mem>>
      %dma_start3A = arith.constant 0 : i32
      %dma_start3A_31 = tpu.memref_slice %arg3[%add3A_30, %dma_start3A] : memref<20480x16xf32, #tpu.memory_space<hbm>> -> memref<640x16xf32, #tpu.memory_space<hbm>>
      %dma_start3A_32 = arith.constant 0 : i32
      %dma_start3A_33 = tpu.memref_slice %arg3[%add3A_30, %dma_start3A_32] : memref<20480x16xf32, #tpu.memory_space<hbm>> -> memref<640x16xf32, #tpu.memory_space<hbm>>
      tpu.enqueue_dma source(%arg7 : memref<640x16xf32, #tpu.memory_space<vmem>>) target(%dma_start3A_33 : memref<640x16xf32, #tpu.memory_space<hbm>>) target_semaphore(%run_scoped3A : memref<!tpu.dma_semaphore, #tpu.memory_space<semaphore_mem>>)
      %dma_wait3A = arith.constant 0 : i32
      %dma_wait3A_34 = tpu.memref_slice %arg3[%add3A_30, %dma_wait3A] : memref<20480x16xf32, #tpu.memory_space<hbm>> -> memref<640x16xf32, #tpu.memory_space<hbm>>
      %dma_wait3A_35 = arith.constant 0 : i32
      %dma_wait3A_36 = tpu.memref_slice %arg3[%add3A_30, %dma_wait3A_35] : memref<20480x16xf32, #tpu.memory_space<hbm>> -> memref<640x16xf32, #tpu.memory_space<hbm>>
      tpu.wait_dma2 semaphore(%run_scoped3A : memref<!tpu.dma_semaphore, #tpu.memory_space<semaphore_mem>>) src(%arg7 : memref<640x16xf32, #tpu.memory_space<vmem>>) dst(%dma_wait3A_36 : memref<640x16xf32, #tpu.memory_space<hbm>>)
      tpu.yield
    }) : () -> ()
    return
  }
}

#map = affine_map<(d0, d1) -> (0, 0)>
#map1 = affine_map<(d0, d1) -> (0, 0, 0)>
module attributes {stable_mosaic.version = 14 : i64} {
  func.func @k(%arg0: i32, %arg1: i32, %arg2: memref<10240x128xf32, #tpu.memory_space<hbm>>, %arg3: memref<32x79x128xi32, #tpu.memory_space<hbm>>, %arg4: memref<32x79x128xi32, #tpu.memory_space<hbm>>, %arg5: memref<20480x128xf32, #tpu.memory_space<hbm>>, %arg6: memref<10240x128xf32, #tpu.memory_space<vmem_shared>>, %arg7: memref<128xi32, #tpu.memory_space<vmem>>, %arg8: memref<128xi32, #tpu.memory_space<vmem>>, %arg9: memref<128x128xf32, #tpu.memory_space<vmem>>) attributes {dimension_semantics = [#tpu.dimension_semantics<core_parallel>, #tpu.dimension_semantics<subcore_parallel>], iteration_bounds = array<i64: 2, 16>, scalar_prefetch = 0 : i64, scratch_operands = 4 : i64, tpu.core_type = #tpu.core_type<sc_vector_subcore>, window_params = [{transform_indices = #map}, {transform_indices = #map1}, {transform_indices = #map1}, {transform_indices = #map}]} {
    %mul3A = arith.constant 2 : i32
    %mul3A_0 = arith.muli %arg1, %mul3A : i32
    %add3A = arith.addi %mul3A_0, %arg0 : i32
    %scan3A = arith.constant 0 : i32
    %scan3A_1 = arith.constant 0 : i32
    %scan3A_2 = arith.constant 5 : i32
    %scan3A_3 = arith.addi %scan3A_1, %scan3A_2 : i32
    %scan3A_4 = arith.constant 1 : i32
    %scan3A_5 = scf.for %scan3A_22 = %scan3A_1 to %scan3A_3 step %scan3A_4 iter_args(%scan3A_23 = %scan3A) -> (i32)  : i32 {
      %mul3A_24 = arith.constant 640 : i32
      %mul3A_25 = arith.muli %arg1, %mul3A_24 : i32
      %mul3A_26 = arith.constant 128 : i32
      %mul3A_27 = arith.muli %scan3A_22, %mul3A_26 : i32
      %add3A_28 = arith.addi %mul3A_25, %mul3A_27 : i32
      "tpu.region"() ({
        %run_scoped3A = tpu.sem_alloc : memref<!tpu.dma_semaphore, #tpu.memory_space<semaphore_mem>>
        %dma_start3A = arith.constant 0 : i32
        %dma_start3A_30 = tpu.memref_slice %arg2[%add3A_28, %dma_start3A] : memref<10240x128xf32, #tpu.memory_space<hbm>> -> memref<128x128xf32, #tpu.memory_space<hbm>>
        %dma_start3A_31 = arith.constant 0 : i32
        %dma_start3A_32 = tpu.memref_slice %arg2[%add3A_28, %dma_start3A_31] : memref<10240x128xf32, #tpu.memory_space<hbm>> -> memref<128x128xf32, #tpu.memory_space<hbm>>
        tpu.enqueue_dma source(%dma_start3A_32 : memref<128x128xf32, #tpu.memory_space<hbm>>) target(%arg9 : memref<128x128xf32, #tpu.memory_space<vmem>>) target_semaphore(%run_scoped3A : memref<!tpu.dma_semaphore, #tpu.memory_space<semaphore_mem>>)
        %dma_wait3A = arith.constant 0 : i32
        %dma_wait3A_33 = tpu.memref_slice %arg2[%add3A_28, %dma_wait3A] : memref<10240x128xf32, #tpu.memory_space<hbm>> -> memref<128x128xf32, #tpu.memory_space<hbm>>
        %dma_wait3A_34 = arith.constant 0 : i32
        %dma_wait3A_35 = tpu.memref_slice %arg2[%add3A_28, %dma_wait3A_34] : memref<10240x128xf32, #tpu.memory_space<hbm>> -> memref<128x128xf32, #tpu.memory_space<hbm>>
        tpu.wait_dma2 semaphore(%run_scoped3A : memref<!tpu.dma_semaphore, #tpu.memory_space<semaphore_mem>>) src(%dma_wait3A_35 : memref<128x128xf32, #tpu.memory_space<hbm>>) dst(%arg9 : memref<128x128xf32, #tpu.memory_space<vmem>>)
        tpu.yield
      }) : () -> ()
      "tpu.region"() ({
        %run_scoped3A = tpu.sem_alloc : memref<!tpu.dma_semaphore, #tpu.memory_space<semaphore_mem>>
        %dma_start3A = arith.constant 0 : i32
        %dma_start3A_30 = tpu.memref_slice %arg6[%add3A_28, %dma_start3A] : memref<10240x128xf32, #tpu.memory_space<vmem_shared>> -> memref<128x128xf32, #tpu.memory_space<vmem_shared>>
        %dma_start3A_31 = arith.constant 0 : i32
        %dma_start3A_32 = tpu.memref_slice %arg6[%add3A_28, %dma_start3A_31] : memref<10240x128xf32, #tpu.memory_space<vmem_shared>> -> memref<128x128xf32, #tpu.memory_space<vmem_shared>>
        tpu.enqueue_dma source(%arg9 : memref<128x128xf32, #tpu.memory_space<vmem>>) target(%dma_start3A_32 : memref<128x128xf32, #tpu.memory_space<vmem_shared>>) target_semaphore(%run_scoped3A : memref<!tpu.dma_semaphore, #tpu.memory_space<semaphore_mem>>)
        %dma_wait3A = arith.constant 0 : i32
        %dma_wait3A_33 = tpu.memref_slice %arg6[%add3A_28, %dma_wait3A] : memref<10240x128xf32, #tpu.memory_space<vmem_shared>> -> memref<128x128xf32, #tpu.memory_space<vmem_shared>>
        %dma_wait3A_34 = arith.constant 0 : i32
        %dma_wait3A_35 = tpu.memref_slice %arg6[%add3A_28, %dma_wait3A_34] : memref<10240x128xf32, #tpu.memory_space<vmem_shared>> -> memref<128x128xf32, #tpu.memory_space<vmem_shared>>
        tpu.wait_dma2 semaphore(%run_scoped3A : memref<!tpu.dma_semaphore, #tpu.memory_space<semaphore_mem>>) src(%arg9 : memref<128x128xf32, #tpu.memory_space<vmem>>) dst(%dma_wait3A_35 : memref<128x128xf32, #tpu.memory_space<vmem_shared>>)
        tpu.yield
      }) : () -> ()
      %scan3A_29 = arith.constant 0 : i32
      scf.yield %scan3A_29 : i32
    }
    %scan3A_6 = arith.constant 5 : i32
    %barrier3A = arith.constant 0 : index
    tpu.barrier barrier_id(%barrier3A)
    %scan3A_7 = arith.constant 0 : i32
    %scan3A_8 = arith.constant 0 : i32
    %scan3A_9 = arith.constant 79 : i32
    %scan3A_10 = arith.addi %scan3A_8, %scan3A_9 : i32
    %scan3A_11 = arith.constant 1 : i32
    %scan3A_12 = scf.for %scan3A_22 = %scan3A_8 to %scan3A_10 step %scan3A_11 iter_args(%scan3A_23 = %scan3A_7) -> (i32)  : i32 {
      "tpu.region"() ({
        %run_scoped3A = tpu.sem_alloc : memref<!tpu.dma_semaphore, #tpu.memory_space<semaphore_mem>>
        %dma_start3A = arith.constant 0 : i32
        %dma_start3A_25 = tpu.memref_slice %arg3[%add3A, %scan3A_22, %dma_start3A] : memref<32x79x128xi32, #tpu.memory_space<hbm>> -> memref<1x1x128xi32, #tpu.memory_space<hbm>>
        %dma_start3A_26 = tpu.memref_squeeze %dma_start3A_25 : memref<1x1x128xi32, #tpu.memory_space<hbm>> -> memref<128xi32, #tpu.memory_space<hbm>>
        %dma_start3A_27 = arith.constant 0 : i32
        %dma_start3A_28 = tpu.memref_slice %arg3[%add3A, %scan3A_22, %dma_start3A_27] : memref<32x79x128xi32, #tpu.memory_space<hbm>> -> memref<1x1x128xi32, #tpu.memory_space<hbm>>
        %dma_start3A_29 = tpu.memref_squeeze %dma_start3A_28 : memref<1x1x128xi32, #tpu.memory_space<hbm>> -> memref<128xi32, #tpu.memory_space<hbm>>
        tpu.enqueue_dma source(%dma_start3A_29 : memref<128xi32, #tpu.memory_space<hbm>>) target(%arg7 : memref<128xi32, #tpu.memory_space<vmem>>) target_semaphore(%run_scoped3A : memref<!tpu.dma_semaphore, #tpu.memory_space<semaphore_mem>>)
        %dma_wait3A = arith.constant 0 : i32
        %dma_wait3A_30 = tpu.memref_slice %arg3[%add3A, %scan3A_22, %dma_wait3A] : memref<32x79x128xi32, #tpu.memory_space<hbm>> -> memref<1x1x128xi32, #tpu.memory_space<hbm>>
        %dma_wait3A_31 = tpu.memref_squeeze %dma_wait3A_30 : memref<1x1x128xi32, #tpu.memory_space<hbm>> -> memref<128xi32, #tpu.memory_space<hbm>>
        %dma_wait3A_32 = arith.constant 0 : i32
        %dma_wait3A_33 = tpu.memref_slice %arg3[%add3A, %scan3A_22, %dma_wait3A_32] : memref<32x79x128xi32, #tpu.memory_space<hbm>> -> memref<1x1x128xi32, #tpu.memory_space<hbm>>
        %dma_wait3A_34 = tpu.memref_squeeze %dma_wait3A_33 : memref<1x1x128xi32, #tpu.memory_space<hbm>> -> memref<128xi32, #tpu.memory_space<hbm>>
        tpu.wait_dma2 semaphore(%run_scoped3A : memref<!tpu.dma_semaphore, #tpu.memory_space<semaphore_mem>>) src(%dma_wait3A_34 : memref<128xi32, #tpu.memory_space<hbm>>) dst(%arg7 : memref<128xi32, #tpu.memory_space<vmem>>)
        tpu.yield
      }) : () -> ()
      "tpu.region"() ({
        %run_scoped3A = tpu.sem_alloc : memref<!tpu.dma_semaphore, #tpu.memory_space<semaphore_mem>>
        %dma_start3A = arith.constant 0 : i32
        %dma_start3A_25 = tpu.memref_slice %arg4[%add3A, %scan3A_22, %dma_start3A] : memref<32x79x128xi32, #tpu.memory_space<hbm>> -> memref<1x1x128xi32, #tpu.memory_space<hbm>>
        %dma_start3A_26 = tpu.memref_squeeze %dma_start3A_25 : memref<1x1x128xi32, #tpu.memory_space<hbm>> -> memref<128xi32, #tpu.memory_space<hbm>>
        %dma_start3A_27 = arith.constant 0 : i32
        %dma_start3A_28 = tpu.memref_slice %arg4[%add3A, %scan3A_22, %dma_start3A_27] : memref<32x79x128xi32, #tpu.memory_space<hbm>> -> memref<1x1x128xi32, #tpu.memory_space<hbm>>
        %dma_start3A_29 = tpu.memref_squeeze %dma_start3A_28 : memref<1x1x128xi32, #tpu.memory_space<hbm>> -> memref<128xi32, #tpu.memory_space<hbm>>
        tpu.enqueue_dma source(%dma_start3A_29 : memref<128xi32, #tpu.memory_space<hbm>>) target(%arg8 : memref<128xi32, #tpu.memory_space<vmem>>) target_semaphore(%run_scoped3A : memref<!tpu.dma_semaphore, #tpu.memory_space<semaphore_mem>>)
        %dma_wait3A = arith.constant 0 : i32
        %dma_wait3A_30 = tpu.memref_slice %arg4[%add3A, %scan3A_22, %dma_wait3A] : memref<32x79x128xi32, #tpu.memory_space<hbm>> -> memref<1x1x128xi32, #tpu.memory_space<hbm>>
        %dma_wait3A_31 = tpu.memref_squeeze %dma_wait3A_30 : memref<1x1x128xi32, #tpu.memory_space<hbm>> -> memref<128xi32, #tpu.memory_space<hbm>>
        %dma_wait3A_32 = arith.constant 0 : i32
        %dma_wait3A_33 = tpu.memref_slice %arg4[%add3A, %scan3A_22, %dma_wait3A_32] : memref<32x79x128xi32, #tpu.memory_space<hbm>> -> memref<1x1x128xi32, #tpu.memory_space<hbm>>
        %dma_wait3A_34 = tpu.memref_squeeze %dma_wait3A_33 : memref<1x1x128xi32, #tpu.memory_space<hbm>> -> memref<128xi32, #tpu.memory_space<hbm>>
        tpu.wait_dma2 semaphore(%run_scoped3A : memref<!tpu.dma_semaphore, #tpu.memory_space<semaphore_mem>>) src(%dma_wait3A_34 : memref<128xi32, #tpu.memory_space<hbm>>) dst(%arg8 : memref<128xi32, #tpu.memory_space<vmem>>)
        tpu.yield
      }) : () -> ()
      "tpu.region"() ({
        %run_scoped3A = tpu.sem_alloc : memref<!tpu.dma_semaphore, #tpu.memory_space<semaphore_mem>>
        %dma_start3A = arith.constant 0 : i32
        %dma_start3A_25 = arith.constant 0 : i32
        %dma_start3A_26 = tpu.memref_slice %arg2[%dma_start3A, %dma_start3A_25] : memref<10240x128xf32, #tpu.memory_space<hbm>> -> memref<10240x128xf32, #tpu.memory_space<hbm>>
        tpu.enqueue_indirect_dma source(%dma_start3A_26 : memref<10240x128xf32, #tpu.memory_space<hbm>>) target(%arg9 : memref<128x128xf32, #tpu.memory_space<vmem>>) offsets(%arg7 : memref<128xi32, #tpu.memory_space<vmem>>) semaphore(%run_scoped3A : memref<!tpu.dma_semaphore, #tpu.memory_space<semaphore_mem>>)
        %dma_wait3A = arith.constant 0 : i32
        %dma_wait3A_27 = arith.constant 0 : i32
        %dma_wait3A_28 = tpu.memref_slice %arg2[%dma_wait3A, %dma_wait3A_27] : memref<10240x128xf32, #tpu.memory_space<hbm>> -> memref<10240x128xf32, #tpu.memory_space<hbm>>
        tpu.wait_indirect_dma semaphore(%run_scoped3A : memref<!tpu.dma_semaphore, #tpu.memory_space<semaphore_mem>>) src(%dma_wait3A_28 : memref<10240x128xf32, #tpu.memory_space<hbm>>) dst(%arg9 : memref<128x128xf32, #tpu.memory_space<vmem>>)
        tpu.yield
      }) : () -> ()
      "tpu.region"() ({
        %run_scoped3A = tpu.sem_alloc : memref<!tpu.dma_semaphore, #tpu.memory_space<semaphore_mem>>
        %dma_start3A = arith.constant 0 : i32
        %dma_start3A_25 = arith.constant 0 : i32
        %dma_start3A_26 = tpu.memref_slice %arg6[%dma_start3A, %dma_start3A_25] : memref<10240x128xf32, #tpu.memory_space<vmem_shared>> -> memref<10240x128xf32, #tpu.memory_space<vmem_shared>>
        tpu.enqueue_indirect_dma source(%arg9 : memref<128x128xf32, #tpu.memory_space<vmem>>) target(%dma_start3A_26 : memref<10240x128xf32, #tpu.memory_space<vmem_shared>>) offsets(%arg8 : memref<128xi32, #tpu.memory_space<vmem>>) semaphore(%run_scoped3A : memref<!tpu.dma_semaphore, #tpu.memory_space<semaphore_mem>>) {add = true}
        %dma_wait3A = arith.constant 0 : i32
        %dma_wait3A_27 = arith.constant 0 : i32
        %dma_wait3A_28 = tpu.memref_slice %arg6[%dma_wait3A, %dma_wait3A_27] : memref<10240x128xf32, #tpu.memory_space<vmem_shared>> -> memref<10240x128xf32, #tpu.memory_space<vmem_shared>>
        tpu.wait_indirect_dma semaphore(%run_scoped3A : memref<!tpu.dma_semaphore, #tpu.memory_space<semaphore_mem>>) src(%arg9 : memref<128x128xf32, #tpu.memory_space<vmem>>) dst(%dma_wait3A_28 : memref<10240x128xf32, #tpu.memory_space<vmem_shared>>)
        tpu.yield
      }) : () -> ()
      %scan3A_24 = arith.constant 0 : i32
      scf.yield %scan3A_24 : i32
    }
    %scan3A_13 = arith.constant 79 : i32
    %barrier3A_14 = arith.constant 0 : index
    tpu.barrier barrier_id(%barrier3A_14)
    %scan3A_15 = arith.constant 0 : i32
    %scan3A_16 = arith.constant 0 : i32
    %scan3A_17 = arith.constant 5 : i32
    %scan3A_18 = arith.addi %scan3A_16, %scan3A_17 : i32
    %scan3A_19 = arith.constant 1 : i32
    %scan3A_20 = scf.for %scan3A_22 = %scan3A_16 to %scan3A_18 step %scan3A_19 iter_args(%scan3A_23 = %scan3A_15) -> (i32)  : i32 {
      %mul3A_24 = arith.constant 640 : i32
      %mul3A_25 = arith.muli %arg1, %mul3A_24 : i32
      %mul3A_26 = arith.constant 128 : i32
      %mul3A_27 = arith.muli %scan3A_22, %mul3A_26 : i32
      %add3A_28 = arith.addi %mul3A_25, %mul3A_27 : i32
      "tpu.region"() ({
        %run_scoped3A = tpu.sem_alloc : memref<!tpu.dma_semaphore, #tpu.memory_space<semaphore_mem>>
        %dma_start3A = arith.constant 0 : i32
        %dma_start3A_33 = tpu.memref_slice %arg6[%add3A_28, %dma_start3A] : memref<10240x128xf32, #tpu.memory_space<vmem_shared>> -> memref<128x128xf32, #tpu.memory_space<vmem_shared>>
        %dma_start3A_34 = arith.constant 0 : i32
        %dma_start3A_35 = tpu.memref_slice %arg6[%add3A_28, %dma_start3A_34] : memref<10240x128xf32, #tpu.memory_space<vmem_shared>> -> memref<128x128xf32, #tpu.memory_space<vmem_shared>>
        tpu.enqueue_dma source(%dma_start3A_35 : memref<128x128xf32, #tpu.memory_space<vmem_shared>>) target(%arg9 : memref<128x128xf32, #tpu.memory_space<vmem>>) target_semaphore(%run_scoped3A : memref<!tpu.dma_semaphore, #tpu.memory_space<semaphore_mem>>)
        %dma_wait3A = arith.constant 0 : i32
        %dma_wait3A_36 = tpu.memref_slice %arg6[%add3A_28, %dma_wait3A] : memref<10240x128xf32, #tpu.memory_space<vmem_shared>> -> memref<128x128xf32, #tpu.memory_space<vmem_shared>>
        %dma_wait3A_37 = arith.constant 0 : i32
        %dma_wait3A_38 = tpu.memref_slice %arg6[%add3A_28, %dma_wait3A_37] : memref<10240x128xf32, #tpu.memory_space<vmem_shared>> -> memref<128x128xf32, #tpu.memory_space<vmem_shared>>
        tpu.wait_dma2 semaphore(%run_scoped3A : memref<!tpu.dma_semaphore, #tpu.memory_space<semaphore_mem>>) src(%dma_wait3A_38 : memref<128x128xf32, #tpu.memory_space<vmem_shared>>) dst(%arg9 : memref<128x128xf32, #tpu.memory_space<vmem>>)
        tpu.yield
      }) : () -> ()
      %mul3A_29 = arith.constant 10240 : i32
      %mul3A_30 = arith.muli %arg0, %mul3A_29 : i32
      %add3A_31 = arith.addi %mul3A_30, %add3A_28 : i32
      "tpu.region"() ({
        %run_scoped3A = tpu.sem_alloc : memref<!tpu.dma_semaphore, #tpu.memory_space<semaphore_mem>>
        %dma_start3A = arith.constant 0 : i32
        %dma_start3A_33 = tpu.memref_slice %arg5[%add3A_31, %dma_start3A] : memref<20480x128xf32, #tpu.memory_space<hbm>> -> memref<128x128xf32, #tpu.memory_space<hbm>>
        %dma_start3A_34 = arith.constant 0 : i32
        %dma_start3A_35 = tpu.memref_slice %arg5[%add3A_31, %dma_start3A_34] : memref<20480x128xf32, #tpu.memory_space<hbm>> -> memref<128x128xf32, #tpu.memory_space<hbm>>
        tpu.enqueue_dma source(%arg9 : memref<128x128xf32, #tpu.memory_space<vmem>>) target(%dma_start3A_35 : memref<128x128xf32, #tpu.memory_space<hbm>>) target_semaphore(%run_scoped3A : memref<!tpu.dma_semaphore, #tpu.memory_space<semaphore_mem>>)
        %dma_wait3A = arith.constant 0 : i32
        %dma_wait3A_36 = tpu.memref_slice %arg5[%add3A_31, %dma_wait3A] : memref<20480x128xf32, #tpu.memory_space<hbm>> -> memref<128x128xf32, #tpu.memory_space<hbm>>
        %dma_wait3A_37 = arith.constant 0 : i32
        %dma_wait3A_38 = tpu.memref_slice %arg5[%add3A_31, %dma_wait3A_37] : memref<20480x128xf32, #tpu.memory_space<hbm>> -> memref<128x128xf32, #tpu.memory_space<hbm>>
        tpu.wait_dma2 semaphore(%run_scoped3A : memref<!tpu.dma_semaphore, #tpu.memory_space<semaphore_mem>>) src(%arg9 : memref<128x128xf32, #tpu.memory_space<vmem>>) dst(%dma_wait3A_38 : memref<128x128xf32, #tpu.memory_space<hbm>>)
        tpu.yield
      }) : () -> ()
      %scan3A_32 = arith.constant 0 : i32
      scf.yield %scan3A_32 : i32
    }
    %scan3A_21 = arith.constant 5 : i32
    return
  }
}

module attributes {stable_mosaic.version = 14 : i64} {
  func.func @_matmul_body(%arg0: i32, %arg1: memref<1280x128xf32, #tpu.memory_space<vmem>>, %arg2: memref<128x128xf32, #tpu.memory_space<vmem>>, %arg3: memref<1280x16xf32, #tpu.memory_space<vmem>>, %arg4: memref<1280x16xf32, #tpu.memory_space<vmem>>, %arg5: memref<1280x128xf32, #tpu.memory_space<vmem>>) attributes {dimension_semantics = [#tpu.dimension_semantics<arbitrary>], iteration_bounds = array<i64: 8>, scalar_prefetch = 0 : i64, scratch_operands = 0 : i64, tpu.core_type = #tpu.core_type<tc>, window_params = [{transform_indices = @transform_0, window_bounds = array<i64: 1280, 128>}, {pipeline_mode = #tpu.pipeline_mode<synchronous>, transform_indices = @transform_1, window_bounds = array<i64: 128, 128>}, {transform_indices = @transform_2, window_bounds = array<i64: 1280, 16>}, {transform_indices = @transform_3, window_bounds = array<i64: 1280, 16>}, {transform_indices = @transform_4, window_bounds = array<i64: 1280, 128>}]} {
    %get3A = arith.constant 0 : index
    %get3A_0 = arith.constant 0 : index
    %get3A_1 = vector.load %arg3[%get3A, %get3A_0] : memref<1280x16xf32, #tpu.memory_space<vmem>>, vector<1280x1xf32>
    %get3A_2 = arith.constant 0 : index
    %get3A_3 = arith.constant 0 : index
    %get3A_4 = vector.load %arg4[%get3A_2, %get3A_3] : memref<1280x16xf32, #tpu.memory_space<vmem>>, vector<1280x1xf32>
    %add3A = arith.addf %get3A_1, %get3A_4 : vector<1280x1xf32>
    %add3A_5 = arith.constant 1.000000e+00 : f32
    %add3A_6 = vector.broadcast %add3A_5 : f32 to vector<1280x1xf32>
    %add3A_7 = arith.addf %add3A, %add3A_6 : vector<1280x1xf32>
    %rsqrt3A = math.rsqrt %add3A_7 : vector<1280x1xf32>
    %get3A_8 = arith.constant 0 : index
    %get3A_9 = arith.constant 0 : index
    %get3A_10 = vector.load %arg1[%get3A_8, %get3A_9] : memref<1280x128xf32, #tpu.memory_space<vmem>>, vector<1280x128xf32>
    %get3A_11 = arith.constant 0 : index
    %get3A_12 = arith.constant 0 : index
    %get3A_13 = vector.load %arg2[%get3A_11, %get3A_12] : memref<128x128xf32, #tpu.memory_space<vmem>>, vector<128x128xf32>
    %dot_general3A = arith.constant dense<0.000000e+00> : vector<1280x128xf32>
    %dot_general3A_14 = tpu.matmul %get3A_10, %get3A_13, %dot_general3A {dimension_numbers = #tpu.dot_dimension_numbers<[1], [0], [0], [1], [0, 0, 1, 1], [], []>, transpose_lhs_hint = false} : vector<1280x128xf32>, vector<128x128xf32>, vector<1280x128xf32> -> vector<1280x128xf32>
    %mul3A = vector.broadcast %rsqrt3A : vector<1280x1xf32> to vector<1280x128xf32>
    %mul3A_15 = arith.mulf %dot_general3A_14, %mul3A : vector<1280x128xf32>
    %swap3A = arith.constant 0 : index
    %swap3A_16 = arith.constant 0 : index
    %swap3A_17 = vector.load %arg5[%swap3A, %swap3A_16] : memref<1280x128xf32, #tpu.memory_space<vmem>>, vector<1280x128xf32>
    tpu.vector_store %arg5[%swap3A, %swap3A_16], %mul3A_15 {strides = array<i32>} : memref<1280x128xf32, #tpu.memory_space<vmem>>, vector<1280x128xf32>,
    return
  }
  func.func @transform_0(%arg0: i32) -> (i32, i32) {
    %c0_i32 = arith.constant 0 : i32
    %c0_i32_0 = arith.constant 0 : i32
    return %arg0, %c0_i32 : i32, i32
  }
  func.func @transform_1(%arg0: i32) -> (i32, i32) {
    %c0_i32 = arith.constant 0 : i32
    %c0_i32_0 = arith.constant 0 : i32
    %c0_i32_1 = arith.constant 0 : i32
    return %c0_i32, %c0_i32_0 : i32, i32
  }
  func.func @transform_2(%arg0: i32) -> (i32, i32) {
    %c0_i32 = arith.constant 0 : i32
    %c0_i32_0 = arith.constant 0 : i32
    return %arg0, %c0_i32 : i32, i32
  }
  func.func @transform_3(%arg0: i32) -> (i32, i32) {
    %c0_i32 = arith.constant 0 : i32
    %c0_i32_0 = arith.constant 0 : i32
    return %arg0, %c0_i32 : i32, i32
  }
  func.func @transform_4(%arg0: i32) -> (i32, i32) {
    %c0_i32 = arith.constant 0 : i32
    %c0_i32_0 = arith.constant 0 : i32
    return %arg0, %c0_i32 : i32, i32
  }
}

module attributes {stable_mosaic.version = 14 : i64} {
  func.func @_finish_body(%arg0: memref<2x10240x128xf32, #tpu.memory_space<vmem>>, %arg1: memref<10240x128xf32, #tpu.memory_space<vmem>>, %arg2: memref<10240x16xf32, #tpu.memory_space<vmem>>, %arg3: memref<10240x16xf32, #tpu.memory_space<vmem>>, %arg4: memref<1x128xf32, #tpu.memory_space<vmem>>, %arg5: memref<1x128xf32, #tpu.memory_space<vmem>>, %arg6: memref<1x128xf32, #tpu.memory_space<vmem>>, %arg7: memref<10000x128xf32, #tpu.memory_space<vmem>>) attributes {dimension_semantics = [], scalar_prefetch = 0 : i64, scratch_operands = 0 : i64, tpu.core_type = #tpu.core_type<tc>} {
    %get3A = arith.constant 0 : index
    %get3A_0 = arith.constant 0 : index
    %get3A_1 = arith.constant 0 : index
    %get3A_2 = vector.load %arg0[%get3A, %get3A_0, %get3A_1] : memref<2x10240x128xf32, #tpu.memory_space<vmem>>, vector<1x10000x128xf32>
    %get3A_3 = vector.shape_cast %get3A_2 : vector<1x10000x128xf32> to vector<10000x128xf32>
    %get3A_4 = arith.constant 1 : index
    %get3A_5 = arith.constant 0 : index
    %get3A_6 = arith.constant 0 : index
    %get3A_7 = vector.load %arg0[%get3A_4, %get3A_5, %get3A_6] : memref<2x10240x128xf32, #tpu.memory_space<vmem>>, vector<1x10000x128xf32>
    %get3A_8 = vector.shape_cast %get3A_7 : vector<1x10000x128xf32> to vector<10000x128xf32>
    %add3A = arith.addf %get3A_3, %get3A_8 : vector<10000x128xf32>
    %get3A_9 = arith.constant 0 : index
    %get3A_10 = arith.constant 0 : index
    %get3A_11 = vector.load %arg1[%get3A_9, %get3A_10] : memref<10240x128xf32, #tpu.memory_space<vmem>>, vector<10000x128xf32>
    %sub3A = arith.subf %add3A, %get3A_11 : vector<10000x128xf32>
    %get3A_12 = arith.constant 0 : index
    %get3A_13 = arith.constant 0 : index
    %get3A_14 = vector.load %arg2[%get3A_12, %get3A_13] : memref<10240x16xf32, #tpu.memory_space<vmem>>, vector<10000x1xf32>
    %get3A_15 = arith.constant 0 : index
    %get3A_16 = arith.constant 0 : index
    %get3A_17 = vector.load %arg3[%get3A_15, %get3A_16] : memref<10240x16xf32, #tpu.memory_space<vmem>>, vector<10000x1xf32>
    %add3A_18 = arith.addf %get3A_14, %get3A_17 : vector<10000x1xf32>
    %add3A_19 = arith.constant 1.000000e+00 : f32
    %add3A_20 = vector.broadcast %add3A_19 : f32 to vector<10000x1xf32>
    %add3A_21 = arith.addf %add3A_18, %add3A_20 : vector<10000x1xf32>
    %rsqrt3A = math.rsqrt %add3A_21 : vector<10000x1xf32>
    %mul3A = vector.broadcast %rsqrt3A : vector<10000x1xf32> to vector<10000x128xf32>
    %mul3A_22 = arith.mulf %sub3A, %mul3A : vector<10000x128xf32>
    %get3A_23 = arith.constant 0 : index
    %get3A_24 = arith.constant 0 : index
    %get3A_25 = vector.load %arg4[%get3A_23, %get3A_24] : memref<1x128xf32, #tpu.memory_space<vmem>>, vector<1x128xf32>
    %add3A_26 = vector.broadcast %get3A_25 : vector<1x128xf32> to vector<10000x128xf32>
    %add3A_27 = arith.addf %mul3A_22, %add3A_26 : vector<10000x128xf32>
    %reduce_sum3A = arith.constant dense<0.000000e+00> : vector<128xf32>
    %reduce_sum3A_28 = vector.multi_reduction <add>, %add3A_27, %reduce_sum3A [0] : vector<10000x128xf32> to vector<128xf32>
    %broadcast_in_dim3A = vector.shape_cast %reduce_sum3A_28 : vector<128xf32> to vector<1x128xf32>
    %div3A = arith.constant 1.000000e+04 : f32
    %div3A_29 = vector.broadcast %div3A : f32 to vector<1x128xf32>
    %div3A_30 = arith.divf %broadcast_in_dim3A, %div3A_29 : vector<1x128xf32>
    %sub3A_31 = vector.broadcast %div3A_30 : vector<1x128xf32> to vector<10000x128xf32>
    %sub3A_32 = arith.subf %add3A_27, %sub3A_31 : vector<10000x128xf32>
    %mul3A_33 = arith.mulf %sub3A_32, %sub3A_32 : vector<10000x128xf32>
    %reduce_sum3A_34 = arith.constant dense<0.000000e+00> : vector<128xf32>
    %reduce_sum3A_35 = vector.multi_reduction <add>, %mul3A_33, %reduce_sum3A_34 [0] : vector<10000x128xf32> to vector<128xf32>
    %broadcast_in_dim3A_36 = vector.shape_cast %reduce_sum3A_35 : vector<128xf32> to vector<1x128xf32>
    %div3A_37 = arith.constant 1.000000e+04 : f32
    %div3A_38 = vector.broadcast %div3A_37 : f32 to vector<1x128xf32>
    %div3A_39 = arith.divf %broadcast_in_dim3A_36, %div3A_38 : vector<1x128xf32>
    %add3A_40 = arith.constant 9.99999974E-6 : f32
    %add3A_41 = vector.broadcast %add3A_40 : f32 to vector<1x128xf32>
    %add3A_42 = arith.addf %div3A_39, %add3A_41 : vector<1x128xf32>
    %rsqrt3A_43 = math.rsqrt %add3A_42 : vector<1x128xf32>
    %mul3A_44 = vector.broadcast %rsqrt3A_43 : vector<1x128xf32> to vector<10000x128xf32>
    %mul3A_45 = arith.mulf %sub3A_32, %mul3A_44 : vector<10000x128xf32>
    %get3A_46 = arith.constant 0 : index
    %get3A_47 = arith.constant 0 : index
    %get3A_48 = vector.load %arg5[%get3A_46, %get3A_47] : memref<1x128xf32, #tpu.memory_space<vmem>>, vector<1x128xf32>
    %mul3A_49 = vector.broadcast %get3A_48 : vector<1x128xf32> to vector<10000x128xf32>
    %mul3A_50 = arith.mulf %mul3A_45, %mul3A_49 : vector<10000x128xf32>
    %get3A_51 = arith.constant 0 : index
    %get3A_52 = arith.constant 0 : index
    %get3A_53 = vector.load %arg6[%get3A_51, %get3A_52] : memref<1x128xf32, #tpu.memory_space<vmem>>, vector<1x128xf32>
    %add3A_54 = vector.broadcast %get3A_53 : vector<1x128xf32> to vector<10000x128xf32>
    %add3A_55 = arith.addf %mul3A_50, %add3A_54 : vector<10000x128xf32>
    %max3A = arith.constant 0.000000e+00 : f32
    %max3A_56 = vector.broadcast %max3A : f32 to vector<10000x128xf32>
    %max3A_57 = arith.maximumf %add3A_55, %max3A_56 : vector<10000x128xf32>
    %swap3A = arith.constant 0 : index
    %swap3A_58 = arith.constant 0 : index
    %swap3A_59 = vector.load %arg7[%swap3A, %swap3A_58] : memref<10000x128xf32, #tpu.memory_space<vmem>>, vector<10000x128xf32>
    tpu.vector_store %arg7[%swap3A, %swap3A_58], %max3A_57 {strides = array<i32>} : memref<10000x128xf32, #tpu.memory_space<vmem>>, vector<10000x128xf32>,
    return
  }
}

</mosaic_0001>

<sc_bundles>
// kernel: kernel.6.cloned.1.call-start
scs
__scs_entry_jumppad:
0x0: {  	(pc) =	sbr.rel $0x88, $3  }
0x1: {  	(tag) =	ssettag $0x0;
	lr =	simm.s32 $0x1  }
0x2: {  	[smem:$0x3F9B] =	sst lr;
	_ =	strace $0xD0000000  }
0x3: {  	_ = 	snop  }
0x4: {  	_ = 	snop  }
0x5: {  	_ = 	snop  }
0x6: {  	_ = 	snop  }
0x7: {  	_ = 	snop  }
__scs_overlays_trampoline_lowered:
0x8: {  	[smem:$0x3FAA] =	sst s0  }
0x9: {  	[smem:$0x3FAB] =	sst s1  }
0xa: {  	[smem:$0x3FAC] =	sst s2  }
0xb: {  	[smem:$0x3FAD] =	sst s3  }
0xc: {  	[smem:$0x3FAE] =	sst s4  }
0xd: {  	[smem:$0x3FAF] =	sst s5  }
0xe: {  	[smem:$0x3FB0] =	sst s6  }
0xf: {  	[smem:$0x3FB1] =	sst s7  }
0x10: {  	[smem:$0x3FB2] =	sst s8  }
0x11: {  	[smem:$0x3FB3] =	sst s9;
	s0 =	simm.s32 @!p0 $0x0  }
0x12: {  	s1 =	sld [smem:$0x3F99];
	s0 =	simm.s32 @p0 $0x1  }
0x13: {  	[smem:$0x3FB4] =	sst s0;
	s0 =	simm.s32 @!p1 $0x0  }
0x14: {  	s2 =	sld [smem:$0x3F98];
	s0 =	simm.s32 @p1 $0x1  }
0x15: {  	[smem:$0x3FB5] =	sst s0;
	s0 =	simm.s32 @!p2 $0x0  }
0x16: {  	s3 =	sld [smem:$0x3FDB];
	s0 =	simm.s32 @p2 $0x1  }
0x17: {  	s4 =	simm.s32 $0x1BF5;
	[smem:$0x3FB7] =	sst s0  }
0x18: {  	s0 =	sld [smem:$0x3F9A];
	_ =	swait.ge [sflag:s4], $0x0  }
0x19: {  	s7 =	sld [smem:$0x3F9B]  }
0x1a: {  	s8 =	sadd.s32 $0xFFFFE003, lr  }
0x1b: {  	s9 =	sadd.s32 $0xFFFFFEF7, lr;
	s5 =	simm.s32 $0xFFFFFFFF;
	p2 =	slt.u32 s8, $0xFFFFF086  }
0x1c: {  	p1 =	slt.u32 s9, $0xF7A;
	s5 =	simm.s32 @!p2 $0x0  }
0x1d: {  	s5 =	simm.s32 @p1 $0x1;
	p0 =	seq.s32 s7, s2  }
0x1e: {  	s7 =	smul.u32 @!p0 $0xF7A, s2;
	p2 =	seq.s32 @!p0 s5, $0x0  }
0x1f: {  	s9 =	smul.u32 $0xF7A, s1;
	s8 =	simm.s32 @!p0 $0x1BF5;
	p2 =	por !p2, p0  }
0x20: {  	[sflag:s8] =	ssyncset.s32 @!p0 $0xFFFFF086;
	s6 =	sadd.s32 @!p0 s3, s7;
	s7 =	simm.s32 @!p0 $0x108  }
0x21: {  	s3 =	sadd.s32 s3, s9;
	s6 =	sadd.s32 @!p0 $0x88, s6;
	s7 =	simm.s32 @p2 $0x1082  }
0x22: {  	[simem:s7], [sflag:s8] =	dma.local @!p0 [hbm:s6], $0xF7A  }
0x23: {  	s9 =	sor.u32 $0xD0000000, s2;
	s6 =	simm.s32 $0x108;
	_ =	swait.ge @!p0 [sflag:s8], $0x0  }
0x24: {  	s3 =	sadd.s32 $0x88, s3;
	s6 =	simm.s32 @!p1 $0x1082;
	[sflag:s4] =	ssyncset.s32 $0xFFFFF086  }
0x25: {  	[simem:s6], [sflag:s4] =	dma.local [hbm:s3], $0xF7A  }
0x26: {  	[smem:$0x3F9B] =	sst s1;
	(tag) =	ssettag s2;
	_ =	strace s9  }
0x27: {  	s1 =	sld [smem:$0x3FAB]  }
0x28: {  	s2 =	sld [smem:$0x3FAC]  }
0x29: {  	s4 =	sld [smem:$0x3FAE]  }
0x2a: {  	p0 =	seq.s32 s5, $0x0;
	s5 =	sld [smem:$0x3FAF]  }
0x2b: {  	s6 =	sld [smem:$0x3FB0]  }
0x2c: {  	s7 =	sld [smem:$0x3FB1]  }
0x2d: {  	s3 =	simm.s32 $0x108;
	s8 =	sld [smem:$0x3FB2]  }
0x2e: {  	s3 =	simm.s32 @!p0 $0x1082;
	s9 =	sld [smem:$0x3FB3]  }
0x2f: {  	lr =	sadd.s32 s0, s3;
	s0 =	sld [smem:$0x3FAA]  }
0x30: {  	s3 =	sld [smem:$0x3FAD]  }
0x31: {  	[smem:$0x3FB6] =	sst s10  }
0x32: {  	s10 =	sld [smem:$0x3FB4];
	_ =	sdelay $0x3  }
0x33: {  	p0 =	seq.s32 s10, $0x1;
	s10 =	sld [smem:$0x3FB6];
	_ =	sdelay $0x3  }
0x34: {  	[smem:$0x3FB6] =	sst s10  }
0x35: {  	s10 =	sld [smem:$0x3FB5];
	_ =	sdelay $0x3  }
0x36: {  	p1 =	seq.s32 s10, $0x1;
	s10 =	sld [smem:$0x3FB6];
	_ =	sdelay $0x3  }
0x37: {  	[smem:$0x3FB6] =	sst s10  }
0x38: {  	s10 =	sld [smem:$0x3FB7]  }
0x39: {  	_ = 	snop;
	(pc) =	sbr.ind lr, $3  }
0x3a: {  	_ = 	snop  }
0x3b: {  	_ = 	snop  }
0x3c: {  	p2 =	seq.s32 s10, $0x1;
	s10 =	sld [smem:$0x3FB6]  }
0x3d: {  	_ =	shalt  }
0x3e: {  	_ =	shalt  }
0x3f: {  	_ =	shalt  }
0x40: {  	_ =	shalt  }
0x41: {  	_ =	shalt  }
0x42: {  	_ =	shalt  }
0x43: {  	_ =	shalt  }
0x44: {  	_ =	shalt  }
0x45: {  	_ =	shalt  }
0x46: {  	_ =	shalt  }
0x47: {  	_ =	shalt  }
0x48: {  	_ =	shalt  }
0x49: {  	_ =	shalt  }
0x4a: {  	_ =	shalt  }
0x4b: {  	_ =	shalt  }
0x4c: {  	_ =	shalt  }
0x4d: {  	_ =	shalt  }
0x4e: {  	_ =	shalt  }
0x4f: {  	_ =	shalt  }
0x50: {  	_ =	shalt  }
0x51: {  	_ =	shalt  }
0x52: {  	_ =	shalt  }
0x53: {  	_ =	shalt  }
0x54: {  	_ =	shalt  }
0x55: {  	_ =	shalt  }
0x56: {  	_ =	shalt  }
0x57: {  	_ =	shalt  }
0x58: {  	_ =	shalt  }
0x59: {  	_ =	shalt  }
0x5a: {  	_ =	shalt  }
0x5b: {  	_ =	shalt  }
0x5c: {  	_ =	shalt  }
0x5d: {  	_ =	shalt  }
0x5e: {  	_ =	shalt  }
0x5f: {  	_ =	shalt  }
0x60: {  	_ =	shalt  }
0x61: {  	_ =	shalt  }
0x62: {  	_ =	shalt  }
0x63: {  	_ =	shalt  }
0x64: {  	_ =	shalt  }
0x65: {  	_ =	shalt  }
0x66: {  	_ =	shalt  }
0x67: {  	_ =	shalt  }
0x68: {  	_ =	shalt  }
0x69: {  	_ =	shalt  }
0x6a: {  	_ =	shalt  }
0x6b: {  	_ =	shalt  }
0x6c: {  	_ =	shalt  }
0x6d: {  	_ =	shalt  }
0x6e: {  	_ =	shalt  }
0x6f: {  	_ =	shalt  }
0x70: {  	_ =	shalt  }
0x71: {  	_ =	shalt  }
0x72: {  	_ =	shalt  }
0x73: {  	_ =	shalt  }
0x74: {  	_ =	shalt  }
0x75: {  	_ =	shalt  }
0x76: {  	_ =	shalt  }
0x77: {  	_ =	shalt  }
0x78: {  	_ =	shalt  }
0x79: {  	_ =	shalt  }
0x7a: {  	_ =	shalt  }
0x7b: {  	_ =	shalt  }
0x7c: {  	_ =	shalt  }
0x7d: {  	_ =	shalt  }
0x7e: {  	_ =	shalt  }
0x7f: {  	_ =	shalt  }
0x80: {  	_ =	shalt  }
0x81: {  	_ =	shalt  }
0x82: {  	_ =	shalt  }
0x83: {  	_ =	shalt  }
0x84: {  	_ =	shalt  }
0x85: {  	_ =	shalt  }
0x86: {  	_ =	shalt  }
0x87: {  	_ =	shalt  }
.Lfunc_end0:
.L_simem_size_0:
called_computation_lowered:
.L_overlay_start_0:
0x88: {  	s2 =	sld [smem:$0x3FD9]  }
0x89: {  	s3 =	sld [smem:$0x3FFE];
	_ =	sdelay $0x1  }
0x8a: {  	s1 =	srdreg.scid  }
0x8b: {  	s0 =	sand.u32 $0x1, s1  }
0x8c: {  	s17 =	sshll.u32 s0, $0xA;
	s2 =	sadd.s32 s3, s2  }
0x8d: {  	s2 =	sadd.s32 s2, s17  }
0x8e: {  	[smem:$0x3FC2] =	sst s2  }
0x8f: {  	_ = 	snop  }
0x90: {  	s2 =	sld [smem:$0x3FD0];
	(tm) =	ssettm $0x1  }
0x91: {  	s18 =	sld [smem:$0x3FFB];
	_ =	sdelay $0x3  }
0x92: {  	_ =	strace s18  }
0x93: {  	s3 =	sld [smem:$0x3FFC];
	_ =	sdelay $0x3  }
0x94: {  	_ =	strace s3  }
0x95: {  	s3 =	sld [smem:$0x3FFD];
	_ =	sdelay $0x3  }
0x96: {  	_ =	strace s3  }
0x97: {  	_ =	strace $0x8FFFFFFF  }
0x98: {  	s19 =	sld [smem:$0x3FDB];
	_ =	sdelay $0x1  }
0x99: {  	s4 =	simm.s32 $_scs_section_size  }
0x9a: {  	s5 =	simm.s32 $_size__tile_overlayer_lowered;
	s6 =	simm.s32 $_tile_overlayer_lowered  }
0x9b: {  	s22 =	simm.s32 $0x1BFF;
	s21 =	sshll.u32 s6, $0x1;
	s3 =	sadd.s32 s4, s19  }
0x9c: {  	s7 =	simm.s32 $0x0;
	s20 =	sshll.u32 s5, $0x1;
	s5 =	sadd.s32 s21, s3  }
0x9d: {  	[timem:s7], [sflag:s22] =	dma.local [hbm:s5], s20  }
0x9e: {  	_ =	swait.ge [sflag:s22], s20  }
0x9f: {  	s4 =	ssub.s32 $0x0, s20;
	[sflag:s22] =	ssyncset.done $0x0  }
0xa0: {  	[sflag:s22] =	ssyncadd.s32 s4;
	_ =	sdelay $0x1  }
0xa1: {  	s23 =	simm.s32 $0x1B8B  }
0xa2: {  	_ =	swait.ge [sflag:s23], $0x1  }
0xa3: {  	[sflag:s23] =	ssyncset.done $0x0  }
0xa4: {  	s25 =	simm.s32 $0x1B8E;
	s24 =	sld [smem:$0x3FFE];
	[sflag:s23] =	ssyncadd.s32 $0xFFFFFFFF  }
0xa5: {  	s26 =	simm.s32 $execute0_lowered;
	[smem:$0x3FD2] =	sst s25  }
0xa6: {  	s5 =	sshll.u32 s26, $0x1;
	_ =	strace $0x80000046;
	[dreg:$0x1] =	wrdreg $0xFFFFFFFF  }
0xa7: {  	s28 =	simm.s32 $_size_execute0_lowered;
	s3 =	sadd.s32 s3, s5;
	[dreg:$0x0] =	wrdreg $0x0  }
0xa8: {  	s5 =	sshll.u32 s28, $0x1;
	[dreg:$0x2] =	wrdreg s3  }
0xa9: {  	[dreg:$0x3] =	wrdreg s5  }
0xaa: {  	[dreg:$0x4] =	wrdreg $0xC0  }
0xab: {  	_ =	task [dreg:s7], $0x5FFFF  }
0xac: {  	[dreg:$0x1] =	wrdreg $0xFFFFFFFF  }
0xad: {  	[dreg:$0x0] =	wrdreg $0x60  }
0xae: {  	[dreg:$0x2] =	wrdreg s2  }
0xaf: {  	[dreg:$0x3] =	wrdreg s24  }
0xb0: {  	[dreg:$0x4] =	wrdreg $0x0  }
0xb1: {  	[dreg:$0x5] =	wrdreg $0x9  }
0xb2: {  	_ =	task.clear_ibuf [dreg:s7], $0x6FFFF;
	_ =	strace $0x90000046  }
0xb3: {  	s29 =	simm.s32 $0x9;
	_ =	strace $0x80000048  }
0xb4: {  	_ =	swait.ge [sflag:s29], $0x1  }
0xb5: {  	[sflag:s29] =	ssyncadd.s32 $0xFFFFFFFF  }
0xb6: {  	_ =	strace $0x90000048  }
0xb7: {  	_ =	sfence  }
0xb8: {  	s30 =	sld [smem:$0x0];
	_ =	sdelay $0x2  }
0xb9: {  	s31 =	sshll.u32 s1, $0xD;
	s1 =	sshrl.u32 s1, $0x2  }
0xba: {  	s3 =	sand.u32 $0x4000, s31;
	s1 =	sadd.s32 s1, s30  }
0xbb: {  	s0 =	sor.u32 s3, s0;
	s1 =	sshll.u32 s1, $0x11  }
0xbc: {  	s0 =	sor.u32 s1, s0  }
0xbd: {  	s0 =	sadd.s32 $0x8F2B, s0  }
0xbe: {  	[sflag:s0] =	ssyncadd.remote.s32 $0x1  }
0xbf: {  	_ =	sfence.sel $0xFFFF  }
0xc0: {  	[dreg:$0x0] =	wrdreg $0xFFFFFFFF;
	(pc) =	sbr.abs _section_cstart, $3  }
0xc1: {  	[dreg:$0x1] =	wrdreg $0xFFFFFFFF  }
0xc2: {  	_ =	task.clear_ibuf [dreg:s7], $0x2FFFF;
	_ =	strace $0x9FFFFFFF  }
0xc3: {  	(tm) =	ssettm $0x7FFFFFFF  }
tec
execute0_lowered:
.L_overlay_start_1:
0x0: {  	(tag) =	ssettag $0x1  }
0x1: {  	s1 =	rddreg [dreg:$0x0];
	s2 =	srdreg.scid  }
0x2: {  	s0 =	stileid.u32;
	s5 =	rddreg [dreg:$0x1]  }
0x3: {  	s3 =	rddreg [dreg:$0x2];
	s4 =	simm.s32 $0x0;
	s11 =	simm.s32 $0x6800  }
0x4: {  	s12 =	simm.s32 $0x80;
	s13 =	simm.s32 $0x2800;
	s14 =	simm.s32 $0x0  }
0x5: {  	s6 =	sand.u32 $0x1, s2;
	s7 =	smul.u32 $0x2800, s0;
	s2 =	rddreg [dreg:$0x3]  }
0x6: {  	[smem:$0x7FF] =	sst s4;
	s30 =	smul.u32 $0x50000, s0;
	s10 =	sshll.u32 s0, $0x1  }
0x7: {  	s8 =	smul.u32 $0x28000, s6;
	_ =	strace $0x80000047;
	s31 =	ssub.s32 $0x2, s6  }
0x8: {  	s6 =	sor.u32 s6, s10;
	s10 =	simm.s32 $0x1;
	s9 =	sshrl.u32 s31, $0x1  }
0x9: {  	s6 =	smul.u32 $0x2800, s6;
	s7 =	sadd.s32 s7, s8;
	s8 =	sshrl.u32 s30, $0x2  }
0xa: {  	s9 =	ssub.s32 s31, s9;
	s7 =	sadd.s32 s7, s5;
	s5 =	sadd.s32 s8, s3  }
0xb: {  	v0 =	vimm.f32 $1.000000000e+00;
	v1 =	vimm.f32 $0.0e+00;
	s8 =	smax.u32 s9, $0x1;
	s9 =	simm.s32 $0x6880;
	s7 =	sadd.s32 $0x1600, s7  }
.LBB2_1:
0xc: {  	s15 =	simm.s32 $0x0  }
.LBB2_2:
0xd: {  	p0 =	sne.s32 s15, $0xFE00  }
.Ltmp0:
0xe: {  	_ = 	snop;
	(pc) =	sbr.rel @p0 .LBB2_2-.Ltmp0, $3  }
0xf: {  	_ =	sdelay $0x1  }
0x10: {  	s16 =	sshra.s32 s15, $0x2  }
0x11: {  	s15 =	sadd.s32 $0x200, s15;
	[tilespmem:s16+$0x2800] =	vst v0  }
0x12: {  	s15 =	simm.s32 $0x200;
	s16 =	simm.s32 $0x0  }
.LBB2_4:
0x13: {  	p0 =	sne.s32 s15, $0x4FE00;
	[tilespmem:s16+$0x6880] =	vst v1;
	s16 =	smov.u32 s15;
	s15 =	sadd.s32 $0x200, s15  }
.Ltmp1:
0x14: {  	(pc) =	sbr.rel @p0 .LBB2_4-.Ltmp1, $2  }
0x15: {  	_ =	sdelay $0x2  }
0x16: {  	s16 =	sshra.s32 s16, $0x2  }
0x17: {  	[tilespmem:s16+$0x6880] =	vst v1;
	s15 =	simm.s32 $0x0  }
0x18: {  	[spmem:s5] =	stream.linear.scatter [tilespmem:s9], [sflag:$0x1], $0x14000, $0x38;
	[tilespmem:$0x1A880] =	vst v63  }
0x19: {  	s29 =	sand.u32 $0x3C00, s15  }
0x1a: {  	s15 =	sand.u32 $0x380, s15;
	_ =	swait.ge [sflag:s10], $0x14000;
	s16 =	sadd.s32 s6, s29  }
0x1b: {  	[sflag:s10] =	ssyncset.done $0x0;
	s15 =	sor.u32 s15, s16  }
0x1c: {  	[sflag:s10] =	ssyncadd.s32 $0xFFFEC000;
	s15 =	sshrl.u32 s15, $0x3  }
0x1d: {  	[bflag:$0x0] =	sbarrier.arrive $0xFFFF;
	s15 =	sadd.s32 s1, s15  }
0x1e: {  	[tilespmem:s11], [sflag:$0x1] =	stream.linear.gather [hbm4b:s15+s4], $0x80, $0x38;
	[tilespmem:$0x1A880] =	vst v63  }
0x1f: {  	_ =	swait.ge [sflag:s10], $0x80  }
0x20: {  	s30 =	simm.s32 $0x80;
	[sflag:s10] =	ssyncset.done $0x0  }
0x21: {  	s31 =	sand.u32 $0x3C00, s30;
	[sflag:s10] =	ssyncadd.s32 $0xFFFFFF80  }
0x22: {  	[spmem:s3] =	stream.indirect.scatter.add.f32 [tilespmem:s13], [sflag:$0x1], $0x10, s11, s12, $0xb8;
	[tilespmem:$0x1A880] =	vst v63  }
0x23: {  	s17 =	sand.u32 $0x380, s30;
	s16 =	sadd.s32 s6, s31;
	_ =	swait.ge [sflag:s10], $0x800  }
0x24: {  	s16 =	sor.u32 s17, s16;
	s15 =	simm.s32 $0x100;
	[sflag:s10] =	ssyncset.done $0x0  }
.LBB2_6:
0x25: {  	s16 =	sshrl.u32 s16, $0x3  }
0x26: {  	[sflag:s10] =	ssyncadd.s32 $0xFFFFF800;
	s17 =	smov.u32 s15;
	s18 =	sadd.s32 $0x80, s15  }
0x27: {  	p0 =	sne.s32 s15, $0x2700;
	s15 =	sadd.s32 s1, s16  }
0x28: {  	[tilespmem:s11], [sflag:$0x1] =	stream.linear.gather [hbm4b:s15+s4], $0x80, $0x38;
	[tilespmem:$0x1A880] =	vst v63  }
0x29: {  	_ =	swait.ge [sflag:s10], $0x80  }
.Ltmp2:
0x2a: {  	[sflag:s10] =	ssyncset.done $0x0;
	(pc) =	sbr.rel @p0 .LBB2_6-.Ltmp2, $4  }
0x2b: {  	s15 =	sand.u32 $0x3C00, s17;
	[sflag:s10] =	ssyncadd.s32 $0xFFFFFF80  }
0x2c: {  	[spmem:s3] =	stream.indirect.scatter.add.f32 [tilespmem:s13], [sflag:$0x1], $0x10, s11, s12, $0xb8;
	[tilespmem:$0x1A880] =	vst v63  }
0x2d: {  	s16 =	sand.u32 $0x380, s17;
	s15 =	sadd.s32 s6, s15;
	_ =	swait.ge [sflag:s10], $0x800  }
0x2e: {  	s16 =	sor.u32 s16, s15;
	s15 =	smov.u32 s18;
	[sflag:s10] =	ssyncset.done $0x0  }
0x2f: {  	s15 =	sshrl.u32 s16, $0x3  }
0x30: {  	[sflag:s10] =	ssyncadd.s32 $0xFFFFF800;
	s15 =	sadd.s32 s1, s15  }
0x31: {  	[tilespmem:s11], [sflag:$0x1] =	stream.linear.gather [hbm4b:s15+s4], $0x80, $0x38;
	[tilespmem:$0x1A880] =	vst v63  }
0x32: {  	_ =	swait.ge [sflag:s10], $0x80  }
0x33: {  	[sflag:s10] =	ssyncset.done $0x0  }
0x34: {  	[sflag:s10] =	ssyncadd.s32 $0xFFFFFF80  }
0x35: {  	[spmem:s3] =	stream.indirect.scatter.add.f32 [tilespmem:s13], [sflag:$0x1], $0x10, s11, s12, $0xb8;
	[tilespmem:$0x1A880] =	vst v63  }
0x36: {  	_ =	swait.ge [sflag:s10], $0x800  }
0x37: {  	[sflag:s10] =	ssyncset.done $0x0  }
0x38: {  	[sflag:s10] =	ssyncadd.s32 $0xFFFFF800  }
0x39: {  	[bflag:$0x0] =	sbarrier.arrive $0xFFFF  }
0x3a: {  	[tilespmem:s9], [sflag:$0x1] =	stream.linear.gather [spmem:s5], $0x14000, $0x38;
	[tilespmem:$0x1A880] =	vst v63  }
0x3b: {  	s14 =	sadd.s32 $0x1, s14;
	_ =	swait.ge [sflag:s10], $0x14000  }
0x3c: {  	p0 =	sne.s32 s14, s8;
	[sflag:s10] =	ssyncset.done $0x0  }
.Ltmp3:
0x3d: {  	[sflag:s10] =	ssyncadd.s32 $0xFFFEC000;
	(pc) =	sbr.rel @p0 .LBB2_1-.Ltmp3, $4  }
0x3e: {  	[hbm4b:s7+s4] =	stream.linear.scatter [tilespmem:s9], [sflag:$0x1], $0x14000, $0x38;
	[tilespmem:$0x1A880] =	vst v63  }
0x3f: {  	_ =	swait.ge [sflag:s10], $0x14000  }
0x40: {  	[sflag:s10] =	ssyncset.done $0x0  }
0x41: {  	[sflag:s10] =	ssyncadd.s32 $0xFFFEC000  }
0x42: {  	_ =	sfence.sel $0x180000  }
0x43: {  	[bflag:$0x0] =	sbarrier.arrive $0xFFFF  }
0x44: {  	p0 =	sne.s32 s0, $0x0;
	_ =	strace $0x90000047  }
0x45: {  	s0 =	sadd.s32 @!p0 $0x100000, s2;
	[bflag:$0x2] =	sbarrier.arrive $0xFFFF  }
0x46: {  	[sflag:s0] =	ssyncadd.tile.s32 @!p0 $0x1;
	_ =	shalt  }
.Lfunc_end2:
_tile_overlayer_lowered:
.L_overlay_start_2:
0x47: {  	(tag) =	ssettag $0x2  }
0x48: {  	s0 =	rddreg [dreg:$0x0];
	s2 =	stileid.u32  }
0x49: {  	s1 =	rddreg [dreg:$0x1];
	p0 =	sne.s32 s2, $0x0  }
0x4a: {  	s3 =	rddreg [dreg:$0x2];
	[bflag:$0x3] =	sbarrier.arrive $0xFFFF;
	s2 =	simm.s32 @!p0 $0x1C01  }
0x4b: {  	[timem:s3], [sflag:s2] =	dma.local @!p0 [hbm:s0], s1  }
0x4c: {  	s0 =	simm.s32 @!p0 $0x1  }
0x4d: {  	_ =	swait.ge @!p0 [sflag:s0], s1  }
0x4e: {  	s1 =	ssub.s32 @!p0 $0x0, s1;
	[sflag:s0] =	ssyncset.done @!p0 $0x0  }
0x4f: {  	[sflag:s0] =	ssyncadd.s32 @!p0 s1  }
0x50: {  	[bflag:$0x3] =	sbarrier.arrive $0xFFFF  }
0x51: {  	_ =	shalt  }

// kernel: kernel.9.cloned.1.call-start
scs
__scs_entry_jumppad:
0x0: {  	(pc) =	sbr.rel $0x88, $3  }
0x1: {  	(tag) =	ssettag $0x0;
	lr =	simm.s32 $0x1  }
0x2: {  	[smem:$0x3F9B] =	sst lr;
	_ =	strace $0xD0000000  }
0x3: {  	_ = 	snop  }
0x4: {  	_ = 	snop  }
0x5: {  	_ = 	snop  }
0x6: {  	_ = 	snop  }
0x7: {  	_ = 	snop  }
__scs_overlays_trampoline_lowered:
0x8: {  	[smem:$0x3FAA] =	sst s0  }
0x9: {  	[smem:$0x3FAB] =	sst s1  }
0xa: {  	[smem:$0x3FAC] =	sst s2  }
0xb: {  	[smem:$0x3FAD] =	sst s3  }
0xc: {  	[smem:$0x3FAE] =	sst s4  }
0xd: {  	[smem:$0x3FAF] =	sst s5  }
0xe: {  	[smem:$0x3FB0] =	sst s6  }
0xf: {  	[smem:$0x3FB1] =	sst s7  }
0x10: {  	[smem:$0x3FB2] =	sst s8  }
0x11: {  	[smem:$0x3FB3] =	sst s9;
	s0 =	simm.s32 @!p0 $0x0  }
0x12: {  	s1 =	sld [smem:$0x3F99];
	s0 =	simm.s32 @p0 $0x1  }
0x13: {  	[smem:$0x3FB4] =	sst s0;
	s0 =	simm.s32 @!p1 $0x0  }
0x14: {  	s2 =	sld [smem:$0x3F98];
	s0 =	simm.s32 @p1 $0x1  }
0x15: {  	[smem:$0x3FB5] =	sst s0;
	s0 =	simm.s32 @!p2 $0x0  }
0x16: {  	s3 =	sld [smem:$0x3FDB];
	s0 =	simm.s32 @p2 $0x1  }
0x17: {  	s4 =	simm.s32 $0x1BF5;
	[smem:$0x3FB7] =	sst s0  }
0x18: {  	s0 =	sld [smem:$0x3F9A];
	_ =	swait.ge [sflag:s4], $0x0  }
0x19: {  	s7 =	sld [smem:$0x3F9B]  }
0x1a: {  	s8 =	sadd.s32 $0xFFFFE003, lr  }
0x1b: {  	s9 =	sadd.s32 $0xFFFFFEF7, lr;
	s5 =	simm.s32 $0xFFFFFFFF;
	p2 =	slt.u32 s8, $0xFFFFF086  }
0x1c: {  	p1 =	slt.u32 s9, $0xF7A;
	s5 =	simm.s32 @!p2 $0x0  }
0x1d: {  	s5 =	simm.s32 @p1 $0x1;
	p0 =	seq.s32 s7, s2  }
0x1e: {  	s7 =	smul.u32 @!p0 $0xF7A, s2;
	p2 =	seq.s32 @!p0 s5, $0x0  }
0x1f: {  	s9 =	smul.u32 $0xF7A, s1;
	s8 =	simm.s32 @!p0 $0x1BF5;
	p2 =	por !p2, p0  }
0x20: {  	[sflag:s8] =	ssyncset.s32 @!p0 $0xFFFFF086;
	s6 =	sadd.s32 @!p0 s3, s7;
	s7 =	simm.s32 @!p0 $0x108  }
0x21: {  	s3 =	sadd.s32 s3, s9;
	s6 =	sadd.s32 @!p0 $0x88, s6;
	s7 =	simm.s32 @p2 $0x1082  }
0x22: {  	[simem:s7], [sflag:s8] =	dma.local @!p0 [hbm:s6], $0xF7A  }
0x23: {  	s9 =	sor.u32 $0xD0000000, s2;
	s6 =	simm.s32 $0x108;
	_ =	swait.ge @!p0 [sflag:s8], $0x0  }
0x24: {  	s3 =	sadd.s32 $0x88, s3;
	s6 =	simm.s32 @!p1 $0x1082;
	[sflag:s4] =	ssyncset.s32 $0xFFFFF086  }
0x25: {  	[simem:s6], [sflag:s4] =	dma.local [hbm:s3], $0xF7A  }
0x26: {  	[smem:$0x3F9B] =	sst s1;
	(tag) =	ssettag s2;
	_ =	strace s9  }
0x27: {  	s1 =	sld [smem:$0x3FAB]  }
0x28: {  	s2 =	sld [smem:$0x3FAC]  }
0x29: {  	s4 =	sld [smem:$0x3FAE]  }
0x2a: {  	p0 =	seq.s32 s5, $0x0;
	s5 =	sld [smem:$0x3FAF]  }
0x2b: {  	s6 =	sld [smem:$0x3FB0]  }
0x2c: {  	s7 =	sld [smem:$0x3FB1]  }
0x2d: {  	s3 =	simm.s32 $0x108;
	s8 =	sld [smem:$0x3FB2]  }
0x2e: {  	s3 =	simm.s32 @!p0 $0x1082;
	s9 =	sld [smem:$0x3FB3]  }
0x2f: {  	lr =	sadd.s32 s0, s3;
	s0 =	sld [smem:$0x3FAA]  }
0x30: {  	s3 =	sld [smem:$0x3FAD]  }
0x31: {  	[smem:$0x3FB6] =	sst s10  }
0x32: {  	s10 =	sld [smem:$0x3FB4];
	_ =	sdelay $0x3  }
0x33: {  	p0 =	seq.s32 s10, $0x1;
	s10 =	sld [smem:$0x3FB6];
	_ =	sdelay $0x3  }
0x34: {  	[smem:$0x3FB6] =	sst s10  }
0x35: {  	s10 =	sld [smem:$0x3FB5];
	_ =	sdelay $0x3  }
0x36: {  	p1 =	seq.s32 s10, $0x1;
	s10 =	sld [smem:$0x3FB6];
	_ =	sdelay $0x3  }
0x37: {  	[smem:$0x3FB6] =	sst s10  }
0x38: {  	s10 =	sld [smem:$0x3FB7]  }
0x39: {  	_ = 	snop;
	(pc) =	sbr.ind lr, $3  }
0x3a: {  	_ = 	snop  }
0x3b: {  	_ = 	snop  }
0x3c: {  	p2 =	seq.s32 s10, $0x1;
	s10 =	sld [smem:$0x3FB6]  }
0x3d: {  	_ =	shalt  }
0x3e: {  	_ =	shalt  }
0x3f: {  	_ =	shalt  }
0x40: {  	_ =	shalt  }
0x41: {  	_ =	shalt  }
0x42: {  	_ =	shalt  }
0x43: {  	_ =	shalt  }
0x44: {  	_ =	shalt  }
0x45: {  	_ =	shalt  }
0x46: {  	_ =	shalt  }
0x47: {  	_ =	shalt  }
0x48: {  	_ =	shalt  }
0x49: {  	_ =	shalt  }
0x4a: {  	_ =	shalt  }
0x4b: {  	_ =	shalt  }
0x4c: {  	_ =	shalt  }
0x4d: {  	_ =	shalt  }
0x4e: {  	_ =	shalt  }
0x4f: {  	_ =	shalt  }
0x50: {  	_ =	shalt  }
0x51: {  	_ =	shalt  }
0x52: {  	_ =	shalt  }
0x53: {  	_ =	shalt  }
0x54: {  	_ =	shalt  }
0x55: {  	_ =	shalt  }
0x56: {  	_ =	shalt  }
0x57: {  	_ =	shalt  }
0x58: {  	_ =	shalt  }
0x59: {  	_ =	shalt  }
0x5a: {  	_ =	shalt  }
0x5b: {  	_ =	shalt  }
0x5c: {  	_ =	shalt  }
0x5d: {  	_ =	shalt  }
0x5e: {  	_ =	shalt  }
0x5f: {  	_ =	shalt  }
0x60: {  	_ =	shalt  }
0x61: {  	_ =	shalt  }
0x62: {  	_ =	shalt  }
0x63: {  	_ =	shalt  }
0x64: {  	_ =	shalt  }
0x65: {  	_ =	shalt  }
0x66: {  	_ =	shalt  }
0x67: {  	_ =	shalt  }
0x68: {  	_ =	shalt  }
0x69: {  	_ =	shalt  }
0x6a: {  	_ =	shalt  }
0x6b: {  	_ =	shalt  }
0x6c: {  	_ =	shalt  }
0x6d: {  	_ =	shalt  }
0x6e: {  	_ =	shalt  }
0x6f: {  	_ =	shalt  }
0x70: {  	_ =	shalt  }
0x71: {  	_ =	shalt  }
0x72: {  	_ =	shalt  }
0x73: {  	_ =	shalt  }
0x74: {  	_ =	shalt  }
0x75: {  	_ =	shalt  }
0x76: {  	_ =	shalt  }
0x77: {  	_ =	shalt  }
0x78: {  	_ =	shalt  }
0x79: {  	_ =	shalt  }
0x7a: {  	_ =	shalt  }
0x7b: {  	_ =	shalt  }
0x7c: {  	_ =	shalt  }
0x7d: {  	_ =	shalt  }
0x7e: {  	_ =	shalt  }
0x7f: {  	_ =	shalt  }
0x80: {  	_ =	shalt  }
0x81: {  	_ =	shalt  }
0x82: {  	_ =	shalt  }
0x83: {  	_ =	shalt  }
0x84: {  	_ =	shalt  }
0x85: {  	_ =	shalt  }
0x86: {  	_ =	shalt  }
0x87: {  	_ =	shalt  }
.Lfunc_end0:
.L_simem_size_0:
called_computation.1_lowered:
.L_overlay_start_0:
0x88: {  	s2 =	sld [smem:$0x3FD9]  }
0x89: {  	s3 =	sld [smem:$0x3FFE];
	_ =	sdelay $0x1  }
0x8a: {  	s1 =	srdreg.scid  }
0x8b: {  	s0 =	sand.u32 $0x1, s1  }
0x8c: {  	s17 =	sshll.u32 s0, $0xA;
	s2 =	sadd.s32 s3, s2  }
0x8d: {  	s2 =	sadd.s32 s2, s17  }
0x8e: {  	[smem:$0x3FC2] =	sst s2  }
0x8f: {  	_ = 	snop  }
0x90: {  	s2 =	sld [smem:$0x3FD0];
	(tm) =	ssettm $0x1  }
0x91: {  	s18 =	sld [smem:$0x3FFB];
	_ =	sdelay $0x3  }
0x92: {  	_ =	strace s18  }
0x93: {  	s3 =	sld [smem:$0x3FFC];
	_ =	sdelay $0x3  }
0x94: {  	_ =	strace s3  }
0x95: {  	s3 =	sld [smem:$0x3FFD];
	_ =	sdelay $0x3  }
0x96: {  	_ =	strace s3  }
0x97: {  	_ =	strace $0x8FFFFFFF  }
0x98: {  	s19 =	sld [smem:$0x3FDB];
	_ =	sdelay $0x1  }
0x99: {  	s4 =	simm.s32 $_scs_section_size  }
0x9a: {  	s5 =	simm.s32 $_size__tile_overlayer_lowered;
	s6 =	simm.s32 $_tile_overlayer_lowered  }
0x9b: {  	s22 =	simm.s32 $0x1BFF;
	s21 =	sshll.u32 s6, $0x1;
	s3 =	sadd.s32 s4, s19  }
0x9c: {  	s7 =	simm.s32 $0x0;
	s20 =	sshll.u32 s5, $0x1;
	s5 =	sadd.s32 s21, s3  }
0x9d: {  	[timem:s7], [sflag:s22] =	dma.local [hbm:s5], s20  }
0x9e: {  	_ =	swait.ge [sflag:s22], s20  }
0x9f: {  	s4 =	ssub.s32 $0x0, s20;
	[sflag:s22] =	ssyncset.done $0x0  }
0xa0: {  	[sflag:s22] =	ssyncadd.s32 s4;
	_ =	sdelay $0x1  }
0xa1: {  	s23 =	simm.s32 $0x1B8B  }
0xa2: {  	_ =	swait.ge [sflag:s23], $0x1  }
0xa3: {  	[sflag:s23] =	ssyncset.done $0x0  }
0xa4: {  	s25 =	simm.s32 $0x1B8E;
	s24 =	sld [smem:$0x3FFE];
	[sflag:s23] =	ssyncadd.s32 $0xFFFFFFFF  }
0xa5: {  	s26 =	simm.s32 $execute0_lowered;
	[smem:$0x3FD2] =	sst s25  }
0xa6: {  	s5 =	sshll.u32 s26, $0x1;
	_ =	strace $0x80000049;
	[dreg:$0x1] =	wrdreg $0xFFFFFFFF  }
0xa7: {  	s28 =	simm.s32 $_size_execute0_lowered;
	s3 =	sadd.s32 s3, s5;
	[dreg:$0x0] =	wrdreg $0x0  }
0xa8: {  	s5 =	sshll.u32 s28, $0x1;
	[dreg:$0x2] =	wrdreg s3  }
0xa9: {  	[dreg:$0x3] =	wrdreg s5  }
0xaa: {  	[dreg:$0x4] =	wrdreg $0xC0  }
0xab: {  	_ =	task [dreg:s7], $0x5FFFF  }
0xac: {  	[dreg:$0x1] =	wrdreg $0xFFFFFFFF  }
0xad: {  	[dreg:$0x0] =	wrdreg $0x60  }
0xae: {  	[dreg:$0x2] =	wrdreg s24  }
0xaf: {  	[dreg:$0x3] =	wrdreg s2  }
0xb0: {  	[dreg:$0x4] =	wrdreg $0x0  }
0xb1: {  	[dreg:$0x5] =	wrdreg $0x9  }
0xb2: {  	_ =	task.clear_ibuf [dreg:s7], $0x6FFFF;
	_ =	strace $0x90000049  }
0xb3: {  	s29 =	simm.s32 $0x9;
	_ =	strace $0x8000004B  }
0xb4: {  	_ =	swait.ge [sflag:s29], $0x1  }
0xb5: {  	[sflag:s29] =	ssyncadd.s32 $0xFFFFFFFF  }
0xb6: {  	_ =	strace $0x9000004B  }
0xb7: {  	_ =	sfence  }
0xb8: {  	s30 =	sld [smem:$0x0];
	_ =	sdelay $0x2  }
0xb9: {  	s31 =	sshll.u32 s1, $0xD;
	s1 =	sshrl.u32 s1, $0x2  }
0xba: {  	s3 =	sand.u32 $0x4000, s31;
	s1 =	sadd.s32 s1, s30  }
0xbb: {  	s0 =	sor.u32 s3, s0;
	s1 =	sshll.u32 s1, $0x11  }
0xbc: {  	s0 =	sor.u32 s1, s0  }
0xbd: {  	s0 =	sadd.s32 $0x8F2B, s0  }
0xbe: {  	[sflag:s0] =	ssyncadd.remote.s32 $0x1  }
0xbf: {  	_ =	sfence.sel $0xFFFF  }
0xc0: {  	[dreg:$0x0] =	wrdreg $0xFFFFFFFF;
	(pc) =	sbr.abs _section_cstart, $3  }
0xc1: {  	[dreg:$0x1] =	wrdreg $0xFFFFFFFF  }
0xc2: {  	_ =	task.clear_ibuf [dreg:s7], $0x2FFFF;
	_ =	strace $0x9FFFFFFF  }
0xc3: {  	(tm) =	ssettm $0x7FFFFFFF  }
tec
execute0_lowered:
.L_overlay_start_1:
0x0: {  	(tag) =	ssettag $0x1  }
0x1: {  	s0 =	rddreg [dreg:$0x0]  }
0x2: {  	s1 =	rddreg [dreg:$0x1]  }
0x3: {  	s2 =	rddreg [dreg:$0x2];
	s3 =	simm.s32 $0x0;
	s7 =	srdreg.scid  }
0x4: {  	s4 =	stileid.u32;
	s28 =	simm.s32 $0x14080;
	s29 =	simm.s32 $0x80  }
0x5: {  	s30 =	simm.s32 $0x0;
	[smem:$0x7FF] =	sst s3;
	s5 =	sadd.s32 $0x1600, s0  }
0x6: {  	s6 =	sadd.s32 $0x51600, s0;
	s8 =	sand.u32 $0x1, s7;
	s18 =	smul.u32 $0x280, s4  }
0x7: {  	s24 =	sshll.u32 s4, $0x1;
	s10 =	smul.u32 $0x50000, s4;
	s0 =	sadd.s32 $0x5B600, s0  }
0x8: {  	s25 =	smul.u32 $0x2800, s4;
	_ =	strace $0x8000004A;
	s9 =	ssub.s32 $0x2, s8  }
0x9: {  	s7 =	sor.u32 s8, s24;
	s21 =	smul.u32 $0x2800, s8;
	s11 =	sshrl.u32 s9, $0x1  }
0xa: {  	s7 =	smul.u32 $0x2800, s7;
	s10 =	sshrl.u32 s10, $0x2;
	s19 =	sadd.s32 $0x80, s18  }
0xb: {  	s22 =	sadd.s32 $0x100, s18;
	s23 =	sadd.s32 $0x180, s18;
	s24 =	sadd.s32 $0x200, s18  }
0xc: {  	s9 =	ssub.s32 s9, s11;
	s8 =	sadd.s32 s10, s2;
	s10 =	sadd.s32 s5, s25  }
0xd: {  	s31 =	sshll.u32 s19, $0x4;
	s12 =	sshll.u32 s19, $0x7;
	s13 =	sshll.u32 s22, $0x4  }
0xe: {  	s14 =	sshll.u32 s22, $0x7;
	s15 =	sshll.u32 s23, $0x4;
	s16 =	sshll.u32 s23, $0x7  }
0xf: {  	s17 =	sshll.u32 s24, $0x4;
	s18 =	sadd.s32 s21, s18;
	s19 =	sadd.s32 s21, s19  }
0x10: {  	s20 =	sshll.u32 s24, $0x7;
	s22 =	sadd.s32 s21, s22;
	s23 =	sadd.s32 s21, s23  }
0x11: {  	s21 =	sadd.s32 s21, s24;
	s26 =	smax.u32 s9, $0x1;
	s11 =	sadd.s32 s5, s31  }
0x12: {  	s12 =	sadd.s32 s12, s2;
	s13 =	sadd.s32 s5, s13;
	s14 =	sadd.s32 s14, s2  }
0x13: {  	s15 =	sadd.s32 s5, s15;
	s16 =	sadd.s32 s16, s2;
	s17 =	sadd.s32 s5, s17  }
0x14: {  	s25 =	sshll.u32 s18, $0x4;
	s18 =	sadd.s32 s20, s2;
	s22 =	sshll.u32 s22, $0x4  }
0x15: {  	s23 =	sshll.u32 s23, $0x4;
	s24 =	sshll.u32 s21, $0x4;
	[dreg:$0x4] =	wrdreg s26  }
0x16: {  	s26 =	sshll.u32 s19, $0x4;
	s19 =	sadd.s32 s0, s25;
	s21 =	sadd.s32 s0, s22  }
0x17: {  	s22 =	sadd.s32 s0, s23;
	s23 =	sadd.s32 s0, s24;
	s24 =	simm.s32 $0x14100  }
0x18: {  	s25 =	simm.s32 $0x1;
	s20 =	sadd.s32 s0, s26;
	s26 =	simm.s32 $0x14000  }
.LBB2_1:
0x19: {  	[tilespmem:s24], [sflag:$0x1] =	stream.linear.gather [hbm4b:s10+s3], $0x4000, $0x38;
	[tilespmem:$0x18100] =	vst v63  }
0x1a: {  	_ =	swait.ge [sflag:s25], $0x4000  }
0x1b: {  	[sflag:s25] =	ssyncset.done $0x0  }
0x1c: {  	[sflag:s25] =	ssyncadd.s32 $0xFFFFC000  }
0x1d: {  	[spmem:s8] =	stream.linear.scatter [tilespmem:s24], [sflag:$0x1], $0x4000, $0x38;
	[tilespmem:$0x18100] =	vst v63  }
0x1e: {  	_ =	swait.ge [sflag:s25], $0x4000  }
0x1f: {  	[sflag:s25] =	ssyncset.done $0x0  }
0x20: {  	[sflag:s25] =	ssyncadd.s32 $0xFFFFC000  }
0x21: {  	[tilespmem:s24], [sflag:$0x1] =	stream.linear.gather [hbm4b:s11+s3], $0x4000, $0x38;
	[tilespmem:$0x18100] =	vst v63  }
0x22: {  	_ =	swait.ge [sflag:s25], $0x4000  }
0x23: {  	[sflag:s25] =	ssyncset.done $0x0  }
0x24: {  	[sflag:s25] =	ssyncadd.s32 $0xFFFFC000  }
0x25: {  	[spmem:s12] =	stream.linear.scatter [tilespmem:s24], [sflag:$0x1], $0x4000, $0x38;
	[tilespmem:$0x18100] =	vst v63  }
0x26: {  	_ =	swait.ge [sflag:s25], $0x4000  }
0x27: {  	[sflag:s25] =	ssyncset.done $0x0  }
0x28: {  	[sflag:s25] =	ssyncadd.s32 $0xFFFFC000  }
0x29: {  	[tilespmem:s24], [sflag:$0x1] =	stream.linear.gather [hbm4b:s13+s3], $0x4000, $0x38;
	[tilespmem:$0x18100] =	vst v63  }
0x2a: {  	_ =	swait.ge [sflag:s25], $0x4000  }
0x2b: {  	[sflag:s25] =	ssyncset.done $0x0  }
0x2c: {  	[sflag:s25] =	ssyncadd.s32 $0xFFFFC000  }
0x2d: {  	[spmem:s14] =	stream.linear.scatter [tilespmem:s24], [sflag:$0x1], $0x4000, $0x38;
	[tilespmem:$0x18100] =	vst v63  }
0x2e: {  	_ =	swait.ge [sflag:s25], $0x4000  }
0x2f: {  	[sflag:s25] =	ssyncset.done $0x0  }
0x30: {  	[sflag:s25] =	ssyncadd.s32 $0xFFFFC000  }
0x31: {  	[tilespmem:s24], [sflag:$0x1] =	stream.linear.gather [hbm4b:s15+s3], $0x4000, $0x38;
	[tilespmem:$0x18100] =	vst v63  }
0x32: {  	_ =	swait.ge [sflag:s25], $0x4000  }
0x33: {  	[sflag:s25] =	ssyncset.done $0x0  }
0x34: {  	[sflag:s25] =	ssyncadd.s32 $0xFFFFC000  }
0x35: {  	[spmem:s16] =	stream.linear.scatter [tilespmem:s24], [sflag:$0x1], $0x4000, $0x38;
	[tilespmem:$0x18100] =	vst v63  }
0x36: {  	_ =	swait.ge [sflag:s25], $0x4000  }
0x37: {  	[sflag:s25] =	ssyncset.done $0x0  }
0x38: {  	[sflag:s25] =	ssyncadd.s32 $0xFFFFC000  }
0x39: {  	[tilespmem:s24], [sflag:$0x1] =	stream.linear.gather [hbm4b:s17+s3], $0x4000, $0x38;
	[tilespmem:$0x18100] =	vst v63  }
0x3a: {  	_ =	swait.ge [sflag:s25], $0x4000  }
0x3b: {  	[sflag:s25] =	ssyncset.done $0x0  }
0x3c: {  	s0 =	sand.u32 $0x3C00, s3;
	[sflag:s25] =	ssyncadd.s32 $0xFFFFC000  }
0x3d: {  	[spmem:s18] =	stream.linear.scatter [tilespmem:s24], [sflag:$0x1], $0x4000, $0x38;
	[tilespmem:$0x18100] =	vst v63  }
0x3e: {  	s31 =	sand.u32 $0x380, s3;
	s0 =	sadd.s32 s7, s0;
	_ =	swait.ge [sflag:s25], $0x4000  }
0x3f: {  	s0 =	sor.u32 s31, s0;
	[sflag:s25] =	ssyncset.done $0x0  }
0x40: {  	s0 =	sshrl.u32 s0, $0x3;
	[sflag:s25] =	ssyncadd.s32 $0xFFFFC000  }
0x41: {  	s31 =	sadd.s32 s6, s0;
	[bflag:$0x0] =	sbarrier.arrive $0xFFFF  }
0x42: {  	[tilespmem:s26], [sflag:$0x1] =	stream.linear.gather [hbm4b:s31+s3], $0x80, $0x38;
	[tilespmem:$0x18100] =	vst v63  }
0x43: {  	_ =	swait.ge [sflag:s25], $0x80  }
0x44: {  	[sflag:s25] =	ssyncset.done $0x0  }
0x45: {  	s0 =	sadd.s32 s1, s0;
	[sflag:s25] =	ssyncadd.s32 $0xFFFFFF80  }
0x46: {  	[tilespmem:s28], [sflag:$0x1] =	stream.linear.gather [hbm4b:s0+s3], $0x80, $0x38;
	[tilespmem:$0x18100] =	vst v63  }
0x47: {  	_ =	swait.ge [sflag:s25], $0x80  }
0x48: {  	[sflag:s25] =	ssyncset.done $0x0  }
0x49: {  	[sflag:s25] =	ssyncadd.s32 $0xFFFFFF80  }
0x4a: {  	[tilespmem:s24], [sflag:$0x1] =	stream.indirect.gather [hbm4b:s5+s29], $0x80, s26, s29, $0xb8;
	[tilespmem:$0x18100] =	vst v63  }
0x4b: {  	_ =	swait.ge [sflag:s25], $0x4000  }
0x4c: {  	s9 =	simm.s32 $0x80;
	[sflag:s25] =	ssyncset.done $0x0  }
0x4d: {  	s31 =	sand.u32 $0x3C00, s9;
	[sflag:s25] =	ssyncadd.s32 $0xFFFFC000  }
0x4e: {  	[spmem:s2] =	stream.indirect.scatter.add.f32 [tilespmem:s24], [sflag:$0x1], $0x80, s28, s29, $0xb8;
	[tilespmem:$0x18100] =	vst v63  }
0x4f: {  	s4 =	sadd.s32 s7, s31;
	s0 =	sand.u32 $0x380, s9;
	_ =	swait.ge [sflag:s25], $0x4000  }
0x50: {  	s31 =	simm.s32 $0x100;
	s0 =	sor.u32 s0, s4;
	[sflag:s25] =	ssyncset.done $0x0  }
.LBB2_2:
0x51: {  	s0 =	sshrl.u32 s0, $0x3  }
0x52: {  	[sflag:s25] =	ssyncadd.s32 $0xFFFFC000;
	s4 =	smov.u32 s31;
	s9 =	sadd.s32 $0x80, s31  }
0x53: {  	p0 =	sne.s32 s31, $0x2700;
	s31 =	sadd.s32 s6, s0  }
0x54: {  	[tilespmem:s26], [sflag:$0x1] =	stream.linear.gather [hbm4b:s31+s3], $0x80, $0x38;
	[tilespmem:$0x18100] =	vst v63  }
0x55: {  	_ =	swait.ge [sflag:s25], $0x80  }
0x56: {  	[sflag:s25] =	ssyncset.done $0x0  }
0x57: {  	s0 =	sadd.s32 s1, s0;
	[sflag:s25] =	ssyncadd.s32 $0xFFFFFF80  }
0x58: {  	[tilespmem:s28], [sflag:$0x1] =	stream.linear.gather [hbm4b:s0+s3], $0x80, $0x38;
	[tilespmem:$0x18100] =	vst v63  }
0x59: {  	_ =	swait.ge [sflag:s25], $0x80  }
0x5a: {  	[sflag:s25] =	ssyncset.done $0x0  }
0x5b: {  	[sflag:s25] =	ssyncadd.s32 $0xFFFFFF80  }
0x5c: {  	[tilespmem:s24], [sflag:$0x1] =	stream.indirect.gather [hbm4b:s5+s29], $0x80, s26, s29, $0xb8;
	[tilespmem:$0x18100] =	vst v63  }
0x5d: {  	_ =	swait.ge [sflag:s25], $0x4000  }
.Ltmp0:
0x5e: {  	[sflag:s25] =	ssyncset.done $0x0;
	(pc) =	sbr.rel @p0 .LBB2_2-.Ltmp0, $4  }
0x5f: {  	s0 =	sand.u32 $0x3C00, s4;
	[sflag:s25] =	ssyncadd.s32 $0xFFFFC000  }
0x60: {  	[spmem:s2] =	stream.indirect.scatter.add.f32 [tilespmem:s24], [sflag:$0x1], $0x80, s28, s29, $0xb8;
	[tilespmem:$0x18100] =	vst v63  }
0x61: {  	s4 =	sand.u32 $0x380, s4;
	s0 =	sadd.s32 s7, s0;
	_ =	swait.ge [sflag:s25], $0x4000  }
0x62: {  	s31 =	smov.u32 s9;
	s0 =	sor.u32 s4, s0;
	[sflag:s25] =	ssyncset.done $0x0  }
0x63: {  	s0 =	sshrl.u32 s0, $0x3  }
0x64: {  	[sflag:s25] =	ssyncadd.s32 $0xFFFFC000;
	s4 =	sadd.s32 s6, s0  }
0x65: {  	[tilespmem:s26], [sflag:$0x1] =	stream.linear.gather [hbm4b:s4+s3], $0x80, $0x38;
	[tilespmem:$0x18100] =	vst v63  }
0x66: {  	_ =	swait.ge [sflag:s25], $0x80  }
0x67: {  	[sflag:s25] =	ssyncset.done $0x0  }
0x68: {  	s0 =	sadd.s32 s1, s0;
	[sflag:s25] =	ssyncadd.s32 $0xFFFFFF80  }
0x69: {  	[tilespmem:s28], [sflag:$0x1] =	stream.linear.gather [hbm4b:s0+s3], $0x80, $0x38;
	[tilespmem:$0x18100] =	vst v63  }
0x6a: {  	_ =	swait.ge [sflag:s25], $0x80  }
0x6b: {  	[sflag:s25] =	ssyncset.done $0x0  }
0x6c: {  	[sflag:s25] =	ssyncadd.s32 $0xFFFFFF80  }
0x6d: {  	[tilespmem:s24], [sflag:$0x1] =	stream.indirect.gather [hbm4b:s5+s29], $0x80, s26, s29, $0xb8;
	[tilespmem:$0x18100] =	vst v63  }
0x6e: {  	_ =	swait.ge [sflag:s25], $0x4000  }
0x6f: {  	[sflag:s25] =	ssyncset.done $0x0  }
0x70: {  	[sflag:s25] =	ssyncadd.s32 $0xFFFFC000  }
0x71: {  	[spmem:s2] =	stream.indirect.scatter.add.f32 [tilespmem:s24], [sflag:$0x1], $0x80, s28, s29, $0xb8;
	[tilespmem:$0x18100] =	vst v63  }
0x72: {  	_ =	swait.ge [sflag:s25], $0x4000  }
0x73: {  	[sflag:s25] =	ssyncset.done $0x0  }
0x74: {  	[sflag:s25] =	ssyncadd.s32 $0xFFFFC000  }
0x75: {  	[bflag:$0x0] =	sbarrier.arrive $0xFFFF  }
0x76: {  	[tilespmem:s24], [sflag:$0x1] =	stream.linear.gather [spmem:s8], $0x4000, $0x38;
	[tilespmem:$0x18100] =	vst v63  }
0x77: {  	_ =	swait.ge [sflag:s25], $0x4000  }
0x78: {  	[sflag:s25] =	ssyncset.done $0x0  }
0x79: {  	[sflag:s25] =	ssyncadd.s32 $0xFFFFC000  }
0x7a: {  	[hbm4b:s19+s3] =	stream.linear.scatter [tilespmem:s24], [sflag:$0x1], $0x4000, $0x38;
	[tilespmem:$0x18100] =	vst v63  }
0x7b: {  	_ =	swait.ge [sflag:s25], $0x4000  }
0x7c: {  	[sflag:s25] =	ssyncset.done $0x0  }
0x7d: {  	[sflag:s25] =	ssyncadd.s32 $0xFFFFC000  }
0x7e: {  	[tilespmem:s24], [sflag:$0x1] =	stream.linear.gather [spmem:s12], $0x4000, $0x38;
	[tilespmem:$0x18100] =	vst v63  }
0x7f: {  	_ =	swait.ge [sflag:s25], $0x4000  }
0x80: {  	[sflag:s25] =	ssyncset.done $0x0  }
0x81: {  	[sflag:s25] =	ssyncadd.s32 $0xFFFFC000  }
0x82: {  	[hbm4b:s20+s3] =	stream.linear.scatter [tilespmem:s24], [sflag:$0x1], $0x4000, $0x38;
	[tilespmem:$0x18100] =	vst v63  }
0x83: {  	_ =	swait.ge [sflag:s25], $0x4000  }
0x84: {  	[sflag:s25] =	ssyncset.done $0x0  }
0x85: {  	[sflag:s25] =	ssyncadd.s32 $0xFFFFC000  }
0x86: {  	[tilespmem:s24], [sflag:$0x1] =	stream.linear.gather [spmem:s14], $0x4000, $0x38;
	[tilespmem:$0x18100] =	vst v63  }
0x87: {  	_ =	swait.ge [sflag:s25], $0x4000  }
0x88: {  	[sflag:s25] =	ssyncset.done $0x0  }
0x89: {  	[sflag:s25] =	ssyncadd.s32 $0xFFFFC000  }
0x8a: {  	[hbm4b:s21+s3] =	stream.linear.scatter [tilespmem:s24], [sflag:$0x1], $0x4000, $0x38;
	[tilespmem:$0x18100] =	vst v63  }
0x8b: {  	_ =	swait.ge [sflag:s25], $0x4000  }
0x8c: {  	[sflag:s25] =	ssyncset.done $0x0  }
0x8d: {  	[sflag:s25] =	ssyncadd.s32 $0xFFFFC000  }
0x8e: {  	[tilespmem:s24], [sflag:$0x1] =	stream.linear.gather [spmem:s16], $0x4000, $0x38;
	[tilespmem:$0x18100] =	vst v63  }
0x8f: {  	_ =	swait.ge [sflag:s25], $0x4000  }
0x90: {  	[sflag:s25] =	ssyncset.done $0x0  }
0x91: {  	[sflag:s25] =	ssyncadd.s32 $0xFFFFC000  }
0x92: {  	[hbm4b:s22+s3] =	stream.linear.scatter [tilespmem:s24], [sflag:$0x1], $0x4000, $0x38;
	[tilespmem:$0x18100] =	vst v63  }
0x93: {  	_ =	swait.ge [sflag:s25], $0x4000  }
0x94: {  	[sflag:s25] =	ssyncset.done $0x0  }
0x95: {  	[sflag:s25] =	ssyncadd.s32 $0xFFFFC000  }
0x96: {  	[tilespmem:s24], [sflag:$0x1] =	stream.linear.gather [spmem:s18], $0x4000, $0x38;
	[tilespmem:$0x18100] =	vst v63  }
0x97: {  	_ =	swait.ge [sflag:s25], $0x4000  }
0x98: {  	[sflag:s25] =	ssyncset.done $0x0  }
0x99: {  	[sflag:s25] =	ssyncadd.s32 $0xFFFFC000  }
0x9a: {  	[hbm4b:s23+s3] =	stream.linear.scatter [tilespmem:s24], [sflag:$0x1], $0x4000, $0x38;
	[tilespmem:$0x18100] =	vst v63  }
0x9b: {  	_ =	swait.ge [sflag:s25], $0x4000  }
0x9c: {  	s30 =	sadd.s32 $0x1, s30;
	s31 =	rddreg [dreg:$0x4]  }
0x9d: {  	p0 =	sne.s32 s30, s31  }
.Ltmp1:
0x9e: {  	_ = 	snop;
	(pc) =	sbr.rel @p0 .LBB2_1-.Ltmp1, $3  }
0x9f: {  	_ =	sdelay $0x1  }
0xa0: {  	[sflag:s25] =	ssyncset.done $0x0  }
0xa1: {  	[sflag:s25] =	ssyncadd.s32 $0xFFFFC000  }
0xa2: {  	_ =	sfence.sel $0x180000  }
0xa3: {  	[bflag:$0x0] =	sbarrier.arrive $0xFFFF  }
0xa4: {  	_ =	strace $0x9000004A  }
0xa5: {  	s0 =	stileid.u32;
	[bflag:$0x2] =	sbarrier.arrive $0xFFFF  }
0xa6: {  	p0 =	sne.s32 s0, $0x0;
	s0 =	rddreg [dreg:$0x3]  }
0xa7: {  	s0 =	sadd.s32 @!p0 $0x100000, s0  }
0xa8: {  	[sflag:s0] =	ssyncadd.tile.s32 @!p0 $0x1;
	_ =	shalt  }
.Lfunc_end2:
_tile_overlayer_lowered:
.L_overlay_start_2:
0xa9: {  	(tag) =	ssettag $0x2  }
0xaa: {  	s0 =	rddreg [dreg:$0x0];
	s2 =	stileid.u32  }
0xab: {  	s1 =	rddreg [dreg:$0x1];
	p0 =	sne.s32 s2, $0x0  }
0xac: {  	s3 =	rddreg [dreg:$0x2];
	[bflag:$0x3] =	sbarrier.arrive $0xFFFF;
	s2 =	simm.s32 @!p0 $0x1C01  }
0xad: {  	[timem:s3], [sflag:s2] =	dma.local @!p0 [hbm:s0], s1  }
0xae: {  	s0 =	simm.s32 @!p0 $0x1  }
0xaf: {  	_ =	swait.ge @!p0 [sflag:s0], s1  }
0xb0: {  	s1 =	ssub.s32 @!p0 $0x0, s1;
	[sflag:s0] =	ssyncset.done @!p0 $0x0  }
0xb1: {  	[sflag:s0] =	ssyncadd.s32 @!p0 s1  }
0xb2: {  	[bflag:$0x3] =	sbarrier.arrive $0xFFFF  }
0xb3: {  	_ =	shalt  }

</sc_bundles>
